<compile_context>
chip_gen: v7x
topology: tpu7x:2x2x1
jax: 0.10.2.dev20260603
libtpu: 0.0.44.dev20260713+nightly
codegen_flags: <defaults>
</compile_context>

<pallas_src>
import functools

import jax
import jax.numpy as jnp
from jax import lax
from jax.experimental import pallas as pl
from jax.experimental.pallas import tpu as pltpu
from jax.experimental.pallas import tpu_sc as plsc

N_PTS = 10000
N_PAD = 10240
N_SAMP = 2500
Q_PAD = 2560
K_NBR = 64
R2 = 0.2 * 0.2
D_FEAT = 128
HID = 128
OUT_D = 128
NEG_INF = float("-inf")
POS_INF = float("inf")


def _fps_body(poss_ref, posT_ref, idx_ref):
    pt = posT_ref[...]
    px, py, pz = pt[0], pt[1], pt[2]
    flat = (lax.broadcasted_iota(jnp.int32, (80, 128), 0) * 128
            + lax.broadcasted_iota(jnp.int32, (80, 128), 1))
    in_rng = flat < N_PTS
    flatq = (lax.broadcasted_iota(jnp.int32, (20, 128), 0) * 128
             + lax.broadcasted_iota(jnp.int32, (20, 128), 1))

    def dist_to(nxt):
        dx = px - poss_ref[0, nxt]
        dy = py - poss_ref[1, nxt]
        dz = pz - poss_ref[2, nxt]
        return dx * dx + dy * dy + dz * dz

    d0 = jnp.where(in_rng, dist_to(0), NEG_INF)
    acc0 = jnp.zeros((20, 128), jnp.int32)

    def body(i, state):
        dists, acc = state
        m = jnp.max(dists)
        nxt = jnp.min(jnp.where(dists == m, flat, jnp.int32(2 ** 30)))
        acc = jnp.where(flatq == i, nxt, acc)
        d = dist_to(nxt)
        return jnp.minimum(dists, d), acc

    _, acc = lax.fori_loop(1, N_SAMP, body, (d0, acc0))
    idx_ref[...] = acc


def _fps(pos_s, posT_pad):
    return pl.pallas_call(
        _fps_body,
        in_specs=[
            pl.BlockSpec(memory_space=pltpu.SMEM),
            pl.BlockSpec((3, 80, 128), lambda: (0, 0, 0)),
        ],
        out_shape=jax.ShapeDtypeStruct((20, 128), jnp.int32),
    )(pos_s, posT_pad)


def _lin1_body(xc_ref, w_ref, b_ref, g_ref):
    g_ref[...] = (
        jnp.dot(xc_ref[...], w_ref[...], preferred_element_type=jnp.float32)
        + b_ref[...]
    )


def _lin1(xc_pad, w1c, b1):
    return pl.pallas_call(
        _lin1_body,
        grid=(5,),
        in_specs=[
            pl.BlockSpec((2000, 256), lambda i: (i, 0)),
            pl.BlockSpec((256, HID), lambda i: (0, 0)),
            pl.BlockSpec((1, HID), lambda i: (0, 0)),
        ],
        out_specs=pl.BlockSpec((2000, HID), lambda i: (i, 0)),
        out_shape=jax.ShapeDtypeStruct((N_PTS, HID), jnp.float32),
    )(xc_pad, w1c, b1.reshape(1, HID))


def _knn_body(q8_ref, p8t_ref, neigh_ref):
    q8 = q8_ref[...]
    p8t = p8t_ref[...]
    p2 = jnp.sum(p8t * p8t, axis=0, keepdims=True)
    q2 = jnp.sum(q8 * q8, axis=1, keepdims=True)
    qp = jnp.dot(q8, p8t, preferred_element_type=jnp.float32)
    d2 = jnp.maximum(q2 + p2 - 2.0 * qp, 0.0)
    colI = lax.broadcasted_iota(jnp.int32, (1, N_PAD), 1)
    ok = (d2 <= R2) & (colI < N_PTS)
    d = jnp.where(ok, d2, POS_INF)
    colK = lax.broadcasted_iota(jnp.int32, (1, K_NBR), 1)

    def body(k, state):
        t, li, acc = state
        dd = jnp.where((d > t) | ((d == t) & (colI > li)), d, POS_INF)
        m = jnp.min(dd, axis=1, keepdims=True)
        idx = jnp.min(jnp.where(dd == m, colI, jnp.int32(2 ** 30)),
                      axis=1, keepdims=True)
        sel = jnp.where(m < POS_INF, idx, jnp.int32(-1))
        acc = jnp.where(colK == k, sel, acc)
        return m, jnp.where(m < POS_INF, idx, jnp.int32(2 ** 30)), acc

    t0 = jnp.full((128, 1), NEG_INF)
    li0 = jnp.full((128, 1), jnp.int32(-1))
    acc0 = jnp.full((128, K_NBR), jnp.int32(-1))
    _, _, acc = lax.fori_loop(0, K_NBR, body, (t0, li0, acc0))
    neigh_ref[...] = acc


def _knn(q8_pad, p8t):
    return pl.pallas_call(
        _knn_body,
        grid=(Q_PAD // 128,),
        in_specs=[
            pl.BlockSpec((128, 8), lambda i: (i, 0)),
            pl.BlockSpec((8, N_PAD), lambda i: (0, 0)),
        ],
        out_specs=pl.BlockSpec((128, K_NBR), lambda i: (i, 0)),
        out_shape=jax.ShapeDtypeStruct((Q_PAD, K_NBR), jnp.int32),
    )(q8_pad, p8t)


_B_EDGE = Q_PAD * K_NBR
_NW = 32
_B_PER_W = _B_EDGE // _NW
_CHUNK = 128
_N_CHUNK = _B_PER_W // _CHUNK


def _sc_gather_body(g_hbm, idx_hbm, out_hbm, idx_v, rows_v, sem):
    wid = lax.axis_index("s") * 2 + lax.axis_index("c")
    base = wid * _B_PER_W

    def chunk(c, carry):
        off = base + c * _CHUNK
        pltpu.sync_copy(idx_hbm.at[pl.ds(off, _CHUNK)], idx_v)
        pltpu.async_copy(g_hbm.at[idx_v], rows_v, sem).wait()
        pltpu.sync_copy(rows_v, out_hbm.at[pl.ds(off, _CHUNK)])
        return carry

    lax.fori_loop(0, _N_CHUNK, chunk, 0)


@functools.cache
def _sc_gather_kernel():
    return pl.kernel(
        _sc_gather_body,
        out_type=jax.ShapeDtypeStruct((_B_EDGE, HID), jnp.float32),
        mesh=plsc.VectorSubcoreMesh(core_axis_name="c", subcore_axis_name="s"),
        scratch_types=[
            pltpu.VMEM((_CHUNK,), jnp.int32),
            pltpu.VMEM((_CHUNK, HID), jnp.float32),
            pltpu.SemaphoreType.DMA,
        ],
    )


def _sc_gather(g, idxg):
    return _sc_gather_kernel()(g, idxg)


_QB = 8


def _mlp_body(cnt_ref, xg_ref, q8_ref, w1b_ref, w2_ref, b2_ref, out_ref):
    i = pl.program_id(0)
    nrows = _QB * K_NBR
    v = jnp.dot(q8_ref[...], w1b_ref[...],
                preferred_element_type=jnp.float32)
    rdiv = lax.broadcasted_iota(jnp.int32, (nrows, _QB), 0) // K_NBR
    expm = (rdiv == lax.broadcasted_iota(jnp.int32, (nrows, _QB), 1)
            ).astype(jnp.float32)
    vexp = jnp.dot(expm, v, preferred_element_type=jnp.float32)
    h1 = jnp.maximum(xg_ref[...] - vexp, 0.0)
    h2 = (jnp.dot(h1, w2_ref[...], preferred_element_type=jnp.float32)
          + b2_ref[...])
    rowI = lax.broadcasted_iota(jnp.int32, (nrows, OUT_D), 0)
    rowmod = rowI % K_NBR
    rowdiv = rowI // K_NBR
    cb = jnp.zeros((nrows, OUT_D), jnp.int32)
    for q in range(_QB):
        cb = jnp.where(rowdiv == q, cnt_ref[i * _QB + q], cb)
    hm = jnp.where(rowmod < cb, h2, NEG_INF)
    outI = lax.broadcasted_iota(jnp.int32, (_QB, OUT_D), 0)
    acc = jnp.full((_QB, OUT_D), NEG_INF)
    for q in range(_QB):
        mx = jnp.max(hm[q * K_NBR:(q + 1) * K_NBR, :], axis=0, keepdims=True)
        acc = jnp.where(outI == q, mx, acc)
    out_ref[...] = jnp.where(jnp.isfinite(acc), acc, 0.0)


def _mlp(counts, xg, q8_pad, w1b8, w2, b2):
    return pl.pallas_call(
        _mlp_body,
        grid=(Q_PAD // _QB,),
        in_specs=[
            pl.BlockSpec(memory_space=pltpu.SMEM),
            pl.BlockSpec((_QB * K_NBR, HID), lambda i: (i, 0)),
            pl.BlockSpec((_QB, 8), lambda i: (i, 0)),
            pl.BlockSpec((8, HID), lambda i: (0, 0)),
            pl.BlockSpec((HID, OUT_D), lambda i: (0, 0)),
            pl.BlockSpec((1, OUT_D), lambda i: (0, 0)),
        ],
        out_specs=pl.BlockSpec((_QB, OUT_D), lambda i: (i, 0)),
        out_shape=jax.ShapeDtypeStruct((Q_PAD, OUT_D), jnp.float32),
    )(counts, xg, q8_pad, w1b8, w2, b2.reshape(1, OUT_D))


def kernel(x, pos, batch, seed_idx, W1, b1, W2, b2):
    posT_pad = jnp.zeros((3, N_PAD), jnp.float32).at[:, :N_PTS].set(pos.T)
    idx = _fps(posT_pad[:, :N_PTS],
               posT_pad.reshape(3, 80, 128)).reshape(Q_PAD)[:N_SAMP]

    pos_q = pos[idx]

    xc_pad = jnp.zeros((N_PTS, 256), jnp.float32)
    xc_pad = xc_pad.at[:, :D_FEAT].set(x).at[:, D_FEAT:D_FEAT + 3].set(pos)
    w1c = jnp.zeros((256, HID), jnp.float32).at[:D_FEAT + 3].set(W1)
    G = _lin1(xc_pad, w1c, b1)

    q8_pad = jnp.zeros((Q_PAD, 8), jnp.float32).at[:N_SAMP, :3].set(pos_q)
    p8t = posT_pad.reshape(3, N_PAD)
    p8t = jnp.zeros((8, N_PAD), jnp.float32).at[:3].set(p8t)
    neigh = _knn(q8_pad, p8t)

    idxg = jnp.maximum(neigh, 0).reshape(_B_EDGE)
    Xg = _sc_gather(G, idxg)

    counts = jnp.sum((neigh >= 0).astype(jnp.int32), axis=1)
    w1b8 = jnp.zeros((8, HID), jnp.float32).at[:3].set(W1[D_FEAT:])
    out = _mlp(counts, Xg, q8_pad, w1b8, W2, b2)[:N_SAMP]

    return out, pos_q, batch[idx], seed_idx[idx]

# --- scband reference (transcript-rebuilt; emitter-appended) ---
"""Pipeline reference for scband-samodule-11982958755938 (READ-ONLY COPY).

The authoritative reference and input builder live on the scoring server;
editing this copy changes nothing except your own understanding.
"""

import jax, jax.numpy as jnp
import numpy as np

N = 10000
D_FEAT = 128
RATIO = 0.25
R = 0.2
MAX_NEIGHBORS = 64
HIDDEN = 128
OUT = 128


def fps(pos, n_samples):
    def body(i, state):
        idxs, dists = state
        nxt = jnp.argmax(dists).astype(jnp.int32)
        idxs = idxs.at[i].set(nxt)
        d = jnp.sum((pos - pos[nxt]) ** 2, axis=1)
        return idxs, jnp.minimum(dists, d)
    idxs0 = jnp.zeros((n_samples,), dtype=jnp.int32)
    d0 = jnp.sum((pos - pos[0]) ** 2, axis=1)
    idxs, _ = jax.lax.fori_loop(1, n_samples, body, (idxs0, d0))
    return idxs


def radius_neighbors(pos, pos_q, r, max_n):
    # torch_cluster.radius with max_num_neighbors cap; deterministic nearest-first tiebreak
    q2 = jnp.sum(pos_q ** 2, axis=1, keepdims=True)
    p2 = jnp.sum(pos ** 2, axis=1)[None, :]
    dist2 = jnp.maximum(q2 + p2 - 2.0 * (pos_q @ pos.T), 0.0)
    mask = dist2 <= r * r
    order = jnp.argsort(jnp.where(mask, dist2, jnp.inf), axis=1)[:, :max_n]
    count = jnp.minimum(jnp.sum(mask, axis=1), max_n)
    valid = jnp.arange(max_n)[None, :] < count[:, None]
    return order, valid


def setup_inputs(seed: int = 0):
    key = jax.random.key(seed)
    ks = jax.random.split(key, 4)
    x = jax.random.normal(ks[0], (N, D_FEAT), dtype=jnp.float32)
    pos = jax.random.uniform(ks[1], (N, 3), dtype=jnp.float32)
    batch = jnp.zeros((N,), dtype=jnp.int32)
    seed_idx = jnp.arange(N, dtype=jnp.int32)
    d_in = D_FEAT + 3
    W1 = jax.random.normal(ks[2], (d_in, HIDDEN), dtype=jnp.float32) * (1.0 / np.sqrt(d_in))
    b1 = jnp.zeros((HIDDEN,), dtype=jnp.float32)
    W2 = jax.random.normal(ks[3], (HIDDEN, OUT), dtype=jnp.float32) * (1.0 / np.sqrt(HIDDEN))
    b2 = jnp.zeros((OUT,), dtype=jnp.float32)
    return {"x": x, "pos": pos, "batch": batch, "seed_idx": seed_idx,
            "W1": W1, "b1": b1, "W2": W2, "b2": b2}


def reference(x, pos, batch, seed_idx, W1, b1, W2, b2):
    n_samples = int(N * RATIO)
    idx = fps(pos, n_samples)
    pos_q = pos[idx]
    neigh, valid = radius_neighbors(pos, pos_q, R, MAX_NEIGHBORS)
    # PointConv message: local_nn(concat([x_j, pos_j - pos_i])), max aggregation
    x_j = x[neigh]                              # [Q, 64, D]
    rel = pos[neigh] - pos_q[:, None, :]        # [Q, 64, 3]
    h = jnp.concatenate([x_j, rel], axis=-1)    # [Q, 64, D+3]
    h = jax.nn.relu(h @ W1 + b1)
    h = h @ W2 + b2
    h = jnp.where(valid[:, :, None], h, -jnp.inf)
    out = jnp.max(h, axis=1)
    out = jnp.where(jnp.isfinite(out), out, 0.0)
    return out, pos_q, batch[idx], seed_idx[idx]

if __name__ == "__main__":
    import jax
    _d = setup_inputs()
    print(jax.jit(kernel)(*tuple(_d.values())))

</pallas_src>

<mosaic_0001>
#map = affine_map<(d0, d1) -> (0, 0)>
#map1 = affine_map<(d0, d1) -> (0)>
module attributes {stable_mosaic.version = 14 : i64} {
  func.func @_sc_gather_body(%arg0: i32, %arg1: i32, %arg2: memref<10000x128xf32, #tpu.memory_space<hbm>>, %arg3: memref<163840xi32, #tpu.memory_space<hbm>>, %arg4: memref<163840x128xf32, #tpu.memory_space<hbm>>, %arg5: memref<128xi32, #tpu.memory_space<vmem>>, %arg6: memref<128x128xf32, #tpu.memory_space<vmem>>, %arg7: memref<!tpu.dma_semaphore, #tpu.memory_space<semaphore_mem>>) attributes {dimension_semantics = [#tpu.dimension_semantics<core_parallel>, #tpu.dimension_semantics<subcore_parallel>], iteration_bounds = array<i64: 2, 16>, scalar_prefetch = 0 : i64, scratch_operands = 3 : i64, tpu.core_type = #tpu.core_type<sc_vector_subcore>, window_params = [{transform_indices = #map}, {transform_indices = #map1}, {transform_indices = #map}]} {
    %mul3A = arith.constant 2 : i32
    %mul3A_0 = arith.muli %arg1, %mul3A : i32
    %add3A = arith.addi %mul3A_0, %arg0 : i32
    %mul3A_1 = arith.constant 5120 : i32
    %mul3A_2 = arith.muli %add3A, %mul3A_1 : i32
    %scan3A = arith.constant 0 : i32
    %scan3A_3 = arith.constant 0 : i32
    %scan3A_4 = arith.constant 40 : i32
    %scan3A_5 = arith.addi %scan3A_3, %scan3A_4 : i32
    %scan3A_6 = arith.constant 1 : i32
    scf.for %scan3A_8 = %scan3A_3 to %scan3A_5 step %scan3A_6  : i32 {
      %mul3A_9 = arith.constant 128 : i32
      %mul3A_10 = arith.muli %scan3A_8, %mul3A_9 : i32
      %add3A_11 = arith.addi %mul3A_2, %mul3A_10 : i32
      "tpu.region"() ({
        %run_scoped3A = tpu.sem_alloc : memref<!tpu.dma_semaphore, #tpu.memory_space<semaphore_mem>>
        %dma_start3A_16 = tpu.memref_slice %arg3[%add3A_11] : memref<163840xi32, #tpu.memory_space<hbm>> -> memref<128xi32, #tpu.memory_space<hbm>>
        %dma_start3A_17 = tpu.memref_slice %arg3[%add3A_11] : memref<163840xi32, #tpu.memory_space<hbm>> -> memref<128xi32, #tpu.memory_space<hbm>>
        tpu.enqueue_dma source(%dma_start3A_17 : memref<128xi32, #tpu.memory_space<hbm>>) target(%arg5 : memref<128xi32, #tpu.memory_space<vmem>>) target_semaphore(%run_scoped3A : memref<!tpu.dma_semaphore, #tpu.memory_space<semaphore_mem>>)
        %dma_wait3A_18 = tpu.memref_slice %arg3[%add3A_11] : memref<163840xi32, #tpu.memory_space<hbm>> -> memref<128xi32, #tpu.memory_space<hbm>>
        %dma_wait3A_19 = tpu.memref_slice %arg3[%add3A_11] : memref<163840xi32, #tpu.memory_space<hbm>> -> memref<128xi32, #tpu.memory_space<hbm>>
        tpu.wait_dma2 semaphore(%run_scoped3A : memref<!tpu.dma_semaphore, #tpu.memory_space<semaphore_mem>>) src(%dma_wait3A_19 : memref<128xi32, #tpu.memory_space<hbm>>) dst(%arg5 : memref<128xi32, #tpu.memory_space<vmem>>)
        tpu.yield
      }) : () -> ()
      %dma_start3A = arith.constant 0 : i32
      %dma_start3A_12 = arith.constant 0 : i32
      %dma_start3A_13 = tpu.memref_slice %arg2[%dma_start3A, %dma_start3A_12] : memref<10000x128xf32, #tpu.memory_space<hbm>> -> memref<10000x128xf32, #tpu.memory_space<hbm>>
      tpu.enqueue_indirect_dma source(%dma_start3A_13 : memref<10000x128xf32, #tpu.memory_space<hbm>>) target(%arg6 : memref<128x128xf32, #tpu.memory_space<vmem>>) offsets(%arg5 : memref<128xi32, #tpu.memory_space<vmem>>) semaphore(%arg7 : memref<!tpu.dma_semaphore, #tpu.memory_space<semaphore_mem>>)
      %dma_wait3A = arith.constant 0 : i32
      %dma_wait3A_14 = arith.constant 0 : i32
      %dma_wait3A_15 = tpu.memref_slice %arg2[%dma_wait3A, %dma_wait3A_14] : memref<10000x128xf32, #tpu.memory_space<hbm>> -> memref<10000x128xf32, #tpu.memory_space<hbm>>
      tpu.wait_indirect_dma semaphore(%arg7 : memref<!tpu.dma_semaphore, #tpu.memory_space<semaphore_mem>>) src(%dma_wait3A_15 : memref<10000x128xf32, #tpu.memory_space<hbm>>) dst(%arg6 : memref<128x128xf32, #tpu.memory_space<vmem>>)
      "tpu.region"() ({
        %run_scoped3A = tpu.sem_alloc : memref<!tpu.dma_semaphore, #tpu.memory_space<semaphore_mem>>
        %dma_start3A_16 = arith.constant 0 : i32
        %dma_start3A_17 = tpu.memref_slice %arg4[%add3A_11, %dma_start3A_16] : memref<163840x128xf32, #tpu.memory_space<hbm>> -> memref<128x128xf32, #tpu.memory_space<hbm>>
        %dma_start3A_18 = arith.constant 0 : i32
        %dma_start3A_19 = tpu.memref_slice %arg4[%add3A_11, %dma_start3A_18] : memref<163840x128xf32, #tpu.memory_space<hbm>> -> memref<128x128xf32, #tpu.memory_space<hbm>>
        tpu.enqueue_dma source(%arg6 : memref<128x128xf32, #tpu.memory_space<vmem>>) target(%dma_start3A_19 : memref<128x128xf32, #tpu.memory_space<hbm>>) target_semaphore(%run_scoped3A : memref<!tpu.dma_semaphore, #tpu.memory_space<semaphore_mem>>)
        %dma_wait3A_20 = arith.constant 0 : i32
        %dma_wait3A_21 = tpu.memref_slice %arg4[%add3A_11, %dma_wait3A_20] : memref<163840x128xf32, #tpu.memory_space<hbm>> -> memref<128x128xf32, #tpu.memory_space<hbm>>
        %dma_wait3A_22 = arith.constant 0 : i32
        %dma_wait3A_23 = tpu.memref_slice %arg4[%add3A_11, %dma_wait3A_22] : memref<163840x128xf32, #tpu.memory_space<hbm>> -> memref<128x128xf32, #tpu.memory_space<hbm>>
        tpu.wait_dma2 semaphore(%run_scoped3A : memref<!tpu.dma_semaphore, #tpu.memory_space<semaphore_mem>>) src(%arg6 : memref<128x128xf32, #tpu.memory_space<vmem>>) dst(%dma_wait3A_23 : memref<128x128xf32, #tpu.memory_space<hbm>>)
        tpu.yield
      }) : () -> ()
    }
    %scan3A_7 = arith.constant 40 : i32
    return
  }
}

module attributes {stable_mosaic.version = 14 : i64} {
  func.func @_fps_body(%arg0: memref<3x10000xf32, #tpu.memory_space<smem>>, %arg1: memref<3x80x128xf32, #tpu.memory_space<vmem>>, %arg2: memref<20x128xi32, #tpu.memory_space<vmem>>) attributes {dimension_semantics = [], scalar_prefetch = 0 : i64, scratch_operands = 0 : i64, tpu.core_type = #tpu.core_type<tc>} {
    %get3A = arith.constant 0 : index
    %get3A_0 = arith.constant 0 : index
    %get3A_1 = arith.constant 0 : index
    %get3A_2 = vector.load %arg1[%get3A, %get3A_0, %get3A_1] : memref<3x80x128xf32, #tpu.memory_space<vmem>>, vector<3x80x128xf32>
    %slice3A = vector.extract_strided_slice %get3A_2 {offsets = [0, 0, 0], sizes = [1, 80, 128], strides = [1, 1, 1]} : vector<3x80x128xf32> to vector<1x80x128xf32>
    %squeeze3A = vector.shape_cast %slice3A : vector<1x80x128xf32> to vector<80x128xf32>
    %slice3A_3 = vector.extract_strided_slice %get3A_2 {offsets = [1, 0, 0], sizes = [1, 80, 128], strides = [1, 1, 1]} : vector<3x80x128xf32> to vector<1x80x128xf32>
    %squeeze3A_4 = vector.shape_cast %slice3A_3 : vector<1x80x128xf32> to vector<80x128xf32>
    %slice3A_5 = vector.extract_strided_slice %get3A_2 {offsets = [2, 0, 0], sizes = [1, 80, 128], strides = [1, 1, 1]} : vector<3x80x128xf32> to vector<1x80x128xf32>
    %squeeze3A_6 = vector.shape_cast %slice3A_5 : vector<1x80x128xf32> to vector<80x128xf32>
    %iota3A = tpu.iota {dimensions = array<i32: 0>} : vector<80x128xi32>
    %mul3A = arith.constant 128 : i32
    %mul3A_7 = vector.broadcast %mul3A : i32 to vector<80x128xi32>
    %mul3A_8 = arith.muli %iota3A, %mul3A_7 : vector<80x128xi32>
    %iota3A_9 = tpu.iota {dimensions = array<i32: 1>} : vector<80x128xi32>
    %add3A = arith.addi %mul3A_8, %iota3A_9 : vector<80x128xi32>
    %lt3A = arith.constant 10000 : i32
    %lt3A_10 = vector.broadcast %lt3A : i32 to vector<80x128xi32>
    %lt3A_11 = arith.cmpi slt, %add3A, %lt3A_10 : vector<80x128xi32>
    %iota3A_12 = tpu.iota {dimensions = array<i32: 0>} : vector<20x128xi32>
    %mul3A_13 = arith.constant 128 : i32
    %mul3A_14 = vector.broadcast %mul3A_13 : i32 to vector<20x128xi32>
    %mul3A_15 = arith.muli %iota3A_12, %mul3A_14 : vector<20x128xi32>
    %iota3A_16 = tpu.iota {dimensions = array<i32: 1>} : vector<20x128xi32>
    %add3A_17 = arith.addi %mul3A_15, %iota3A_16 : vector<20x128xi32>
    %get3A_18 = arith.constant 0 : index
    %get3A_19 = arith.constant 0 : index
    %get3A_20 = memref.load %arg0[%get3A_18, %get3A_19] : memref<3x10000xf32, #tpu.memory_space<smem>>
    %sub3A = vector.broadcast %get3A_20 : f32 to vector<80x128xf32>
    %sub3A_21 = arith.subf %squeeze3A, %sub3A : vector<80x128xf32>
    %get3A_22 = arith.constant 1 : index
    %get3A_23 = arith.constant 0 : index
    %get3A_24 = memref.load %arg0[%get3A_22, %get3A_23] : memref<3x10000xf32, #tpu.memory_space<smem>>
    %sub3A_25 = vector.broadcast %get3A_24 : f32 to vector<80x128xf32>
    %sub3A_26 = arith.subf %squeeze3A_4, %sub3A_25 : vector<80x128xf32>
    %get3A_27 = arith.constant 2 : index
    %get3A_28 = arith.constant 0 : index
    %get3A_29 = memref.load %arg0[%get3A_27, %get3A_28] : memref<3x10000xf32, #tpu.memory_space<smem>>
    %sub3A_30 = vector.broadcast %get3A_29 : f32 to vector<80x128xf32>
    %sub3A_31 = arith.subf %squeeze3A_6, %sub3A_30 : vector<80x128xf32>
    %mul3A_32 = arith.mulf %sub3A_21, %sub3A_21 : vector<80x128xf32>
    %mul3A_33 = arith.mulf %sub3A_26, %sub3A_26 : vector<80x128xf32>
    %add3A_34 = arith.addf %mul3A_32, %mul3A_33 : vector<80x128xf32>
    %mul3A_35 = arith.mulf %sub3A_31, %sub3A_31 : vector<80x128xf32>
    %add3A_36 = arith.addf %add3A_34, %mul3A_35 : vector<80x128xf32>
    %jit3A = arith.constant 0xFF800000 : f32
    %broadcast_in_dim3A = vector.broadcast %jit3A : f32 to vector<80x128xf32>
    %select_n3A = arith.select %lt3A_11, %add3A_36, %broadcast_in_dim3A : vector<80x128xi1>, vector<80x128xf32>
    %broadcast_in_dim3A_37 = arith.constant 0 : i32
    %broadcast_in_dim3A_38 = vector.broadcast %broadcast_in_dim3A_37 : i32 to vector<20x128xi32>
    %scan3A = arith.constant 1 : i32
    %scan3A_39 = arith.constant 2499 : i32
    %scan3A_40 = arith.addi %scan3A, %scan3A_39 : i32
    %scan3A_41 = arith.constant 1 : i32
    %scan3A_42:2 = scf.for %scan3A_46 = %scan3A to %scan3A_40 step %scan3A_41 iter_args(%scan3A_47 = %select_n3A, %scan3A_48 = %broadcast_in_dim3A_38) -> (vector<80x128xf32>, vector<20x128xi32>)  : i32 {
      %reduce_max3A = vector.shape_cast %scan3A_47 : vector<80x128xf32> to vector<1x80x128xf32>
      %reduce_max3A_49 = arith.constant dense<0xFF800000> : vector<1xf32>
      %reduce_max3A_50 = vector.multi_reduction <maximumf>, %reduce_max3A, %reduce_max3A_49 [1, 2] : vector<1x80x128xf32> to vector<1xf32>
      %reduce_max3A_51 = vector.shape_cast %reduce_max3A_50 : vector<1xf32> to vector<1x1x1xf32>
      %reduce_max3A_52 = vector.extract %reduce_max3A_51[0, 0, 0] : f32 from vector<1x1x1xf32>
      %eq3A = vector.broadcast %reduce_max3A_52 : f32 to vector<80x128xf32>
      %eq3A_53 = arith.cmpf oeq, %scan3A_47, %eq3A : vector<80x128xf32>
      %jit3A_54 = arith.constant 1073741824 : i32
      %broadcast_in_dim3A_55 = vector.broadcast %jit3A_54 : i32 to vector<80x128xi32>
      %select_n3A_56 = arith.select %eq3A_53, %add3A, %broadcast_in_dim3A_55 : vector<80x128xi1>, vector<80x128xi32>
      %reduce_min3A = vector.shape_cast %select_n3A_56 : vector<80x128xi32> to vector<1x80x128xi32>
      %reduce_min3A_57 = arith.constant dense<2147483647> : vector<1xi32>
      %reduce_min3A_58 = vector.multi_reduction <minsi>, %reduce_min3A, %reduce_min3A_57 [1, 2] : vector<1x80x128xi32> to vector<1xi32>
      %reduce_min3A_59 = vector.shape_cast %reduce_min3A_58 : vector<1xi32> to vector<1x1x1xi32>
      %reduce_min3A_60 = vector.extract %reduce_min3A_59[0, 0, 0] : i32 from vector<1x1x1xi32>
      %eq3A_61 = vector.broadcast %scan3A_46 : i32 to vector<20x128xi32>
      %eq3A_62 = arith.cmpi eq, %add3A_17, %eq3A_61 : vector<20x128xi32>
      %broadcast_in_dim3A_63 = vector.broadcast %reduce_min3A_60 : i32 to vector<20x128xi32>
      %select_n3A_64 = arith.select %eq3A_62, %broadcast_in_dim3A_63, %scan3A_48 : vector<20x128xi1>, vector<20x128xi32>
      %get3A_65 = arith.constant 0 : index
      %get3A_66 = arith.index_cast %reduce_min3A_60 : i32 to index
      %get3A_67 = memref.load %arg0[%get3A_65, %get3A_66] : memref<3x10000xf32, #tpu.memory_space<smem>>
      %sub3A_68 = vector.broadcast %get3A_67 : f32 to vector<80x128xf32>
      %sub3A_69 = arith.subf %squeeze3A, %sub3A_68 : vector<80x128xf32>
      %get3A_70 = arith.constant 1 : index
      %get3A_71 = arith.index_cast %reduce_min3A_60 : i32 to index
      %get3A_72 = memref.load %arg0[%get3A_70, %get3A_71] : memref<3x10000xf32, #tpu.memory_space<smem>>
      %sub3A_73 = vector.broadcast %get3A_72 : f32 to vector<80x128xf32>
      %sub3A_74 = arith.subf %squeeze3A_4, %sub3A_73 : vector<80x128xf32>
      %get3A_75 = arith.constant 2 : index
      %get3A_76 = arith.index_cast %reduce_min3A_60 : i32 to index
      %get3A_77 = memref.load %arg0[%get3A_75, %get3A_76] : memref<3x10000xf32, #tpu.memory_space<smem>>
      %sub3A_78 = vector.broadcast %get3A_77 : f32 to vector<80x128xf32>
      %sub3A_79 = arith.subf %squeeze3A_6, %sub3A_78 : vector<80x128xf32>
      %mul3A_80 = arith.mulf %sub3A_69, %sub3A_69 : vector<80x128xf32>
      %mul3A_81 = arith.mulf %sub3A_74, %sub3A_74 : vector<80x128xf32>
      %add3A_82 = arith.addf %mul3A_80, %mul3A_81 : vector<80x128xf32>
      %mul3A_83 = arith.mulf %sub3A_79, %sub3A_79 : vector<80x128xf32>
      %add3A_84 = arith.addf %add3A_82, %mul3A_83 : vector<80x128xf32>
      %min3A = arith.minimumf %scan3A_47, %add3A_84 : vector<80x128xf32>
      scf.yield %min3A, %select_n3A_64 : vector<80x128xf32>, vector<20x128xi32>
    }
    %scan3A_43 = arith.constant 2499 : i32
    %swap3A = arith.constant 0 : index
    %swap3A_44 = arith.constant 0 : index
    %swap3A_45 = vector.load %arg2[%swap3A, %swap3A_44] : memref<20x128xi32, #tpu.memory_space<vmem>>, vector<20x128xi32>
    tpu.vector_store %arg2[%swap3A, %swap3A_44], %scan3A_42#1 {strides = array<i32>} : memref<20x128xi32, #tpu.memory_space<vmem>>, vector<20x128xi32>,
    return
  }
}

module attributes {stable_mosaic.version = 14 : i64} {
  func.func @_knn_body(%arg0: i32, %arg1: memref<128x8xf32, #tpu.memory_space<vmem>>, %arg2: memref<8x10240xf32, #tpu.memory_space<vmem>>, %arg3: memref<128x64xi32, #tpu.memory_space<vmem>>) attributes {dimension_semantics = [#tpu.dimension_semantics<arbitrary>], iteration_bounds = array<i64: 20>, scalar_prefetch = 0 : i64, scratch_operands = 0 : i64, tpu.core_type = #tpu.core_type<tc>, window_params = [{transform_indices = @transform_0, window_bounds = array<i64: 128, 8>}, {pipeline_mode = #tpu.pipeline_mode<synchronous>, transform_indices = @transform_1, window_bounds = array<i64: 8, 10240>}, {transform_indices = @transform_2, window_bounds = array<i64: 128, 64>}]} {
    %get3A = arith.constant 0 : index
    %get3A_0 = arith.constant 0 : index
    %get3A_1 = vector.load %arg1[%get3A, %get3A_0] : memref<128x8xf32, #tpu.memory_space<vmem>>, vector<128x8xf32>
    %get3A_2 = arith.constant 0 : index
    %get3A_3 = arith.constant 0 : index
    %get3A_4 = vector.load %arg2[%get3A_2, %get3A_3] : memref<8x10240xf32, #tpu.memory_space<vmem>>, vector<8x10240xf32>
    %mul3A = arith.mulf %get3A_4, %get3A_4 : vector<8x10240xf32>
    %reduce_sum3A = arith.constant dense<0.000000e+00> : vector<10240xf32>
    %reduce_sum3A_5 = vector.multi_reduction <add>, %mul3A, %reduce_sum3A [0] : vector<8x10240xf32> to vector<10240xf32>
    %broadcast_in_dim3A = vector.shape_cast %reduce_sum3A_5 : vector<10240xf32> to vector<1x10240xf32>
    %mul3A_6 = arith.mulf %get3A_1, %get3A_1 : vector<128x8xf32>
    %reduce_sum3A_7 = arith.constant dense<0.000000e+00> : vector<128xf32>
    %reduce_sum3A_8 = vector.multi_reduction <add>, %mul3A_6, %reduce_sum3A_7 [1] : vector<128x8xf32> to vector<128xf32>
    %broadcast_in_dim3A_9 = vector.shape_cast %reduce_sum3A_8 : vector<128xf32> to vector<128x1xf32>
    %dot_general3A = arith.constant dense<0.000000e+00> : vector<128x10240xf32>
    %dot_general3A_10 = tpu.matmul %get3A_1, %get3A_4, %dot_general3A {dimension_numbers = #tpu.dot_dimension_numbers<[1], [0], [0], [1], [0, 0, 1, 1], [], []>, transpose_lhs_hint = false} : vector<128x8xf32>, vector<8x10240xf32>, vector<128x10240xf32> -> vector<128x10240xf32>
    %add3A = vector.broadcast %broadcast_in_dim3A_9 : vector<128x1xf32> to vector<128x10240xf32>
    %add3A_11 = vector.broadcast %broadcast_in_dim3A : vector<1x10240xf32> to vector<128x10240xf32>
    %add3A_12 = arith.addf %add3A, %add3A_11 : vector<128x10240xf32>
    %mul3A_13 = arith.constant 2.000000e+00 : f32
    %mul3A_14 = vector.broadcast %mul3A_13 : f32 to vector<128x10240xf32>
    %mul3A_15 = arith.mulf %mul3A_14, %dot_general3A_10 : vector<128x10240xf32>
    %sub3A = arith.subf %add3A_12, %mul3A_15 : vector<128x10240xf32>
    %max3A = arith.constant 0.000000e+00 : f32
    %max3A_16 = vector.broadcast %max3A : f32 to vector<128x10240xf32>
    %max3A_17 = arith.maximumf %sub3A, %max3A_16 : vector<128x10240xf32>
    %iota3A = tpu.iota {dimensions = array<i32: 1>} : vector<1x10240xi32>
    %le3A = arith.constant 4.000000e-02 : f32
    %le3A_18 = vector.broadcast %le3A : f32 to vector<128x10240xf32>
    %le3A_19 = arith.cmpf ole, %max3A_17, %le3A_18 : vector<128x10240xf32>
    %lt3A = arith.constant 10000 : i32
    %lt3A_20 = vector.broadcast %lt3A : i32 to vector<1x10240xi32>
    %lt3A_21 = arith.cmpi slt, %iota3A, %lt3A_20 : vector<1x10240xi32>
    %and3A = vector.broadcast %lt3A_21 : vector<1x10240xi1> to vector<128x10240xi1>
    %and3A_22 = arith.andi %le3A_19, %and3A : vector<128x10240xi1>
    %jit3A = arith.constant 0x7F800000 : f32
    %broadcast_in_dim3A_23 = vector.broadcast %jit3A : f32 to vector<128x10240xf32>
    %select_n3A = arith.select %and3A_22, %max3A_17, %broadcast_in_dim3A_23 : vector<128x10240xi1>, vector<128x10240xf32>
    %iota3A_24 = tpu.iota {dimensions = array<i32: 1>} : vector<1x64xi32>
    %broadcast_in_dim3A_25 = arith.constant 0xFF800000 : f32
    %broadcast_in_dim3A_26 = vector.broadcast %broadcast_in_dim3A_25 : f32 to vector<128x1xf32>
    %broadcast_in_dim3A_27 = arith.constant -1 : i32
    %broadcast_in_dim3A_28 = vector.broadcast %broadcast_in_dim3A_27 : i32 to vector<128x1xi32>
    %broadcast_in_dim3A_29 = arith.constant -1 : i32
    %broadcast_in_dim3A_30 = vector.broadcast %broadcast_in_dim3A_29 : i32 to vector<128x64xi32>
    %scan3A = arith.constant 0 : i32
    %scan3A_31 = arith.constant 64 : i32
    %scan3A_32 = arith.addi %scan3A, %scan3A_31 : i32
    %scan3A_33 = arith.constant 1 : i32
    %scan3A_34:3 = scf.for %scan3A_38 = %scan3A to %scan3A_32 step %scan3A_33 iter_args(%scan3A_39 = %broadcast_in_dim3A_26, %scan3A_40 = %broadcast_in_dim3A_28, %scan3A_41 = %broadcast_in_dim3A_30) -> (vector<128x1xf32>, vector<128x1xi32>, vector<128x64xi32>)  : i32 {
      %gt3A = vector.broadcast %scan3A_39 : vector<128x1xf32> to vector<128x10240xf32>
      %gt3A_42 = arith.cmpf ogt, %select_n3A, %gt3A : vector<128x10240xf32>
      %eq3A = vector.broadcast %scan3A_39 : vector<128x1xf32> to vector<128x10240xf32>
      %eq3A_43 = arith.cmpf oeq, %select_n3A, %eq3A : vector<128x10240xf32>
      %gt3A_44 = vector.broadcast %iota3A : vector<1x10240xi32> to vector<128x10240xi32>
      %gt3A_45 = vector.broadcast %scan3A_40 : vector<128x1xi32> to vector<128x10240xi32>
      %gt3A_46 = arith.cmpi sgt, %gt3A_44, %gt3A_45 : vector<128x10240xi32>
      %and3A_47 = arith.andi %eq3A_43, %gt3A_46 : vector<128x10240xi1>
      %or3A = arith.ori %gt3A_42, %and3A_47 : vector<128x10240xi1>
      %jit3A_48 = arith.constant 0x7F800000 : f32
      %broadcast_in_dim3A_49 = vector.broadcast %jit3A_48 : f32 to vector<128x10240xf32>
      %select_n3A_50 = arith.select %or3A, %select_n3A, %broadcast_in_dim3A_49 : vector<128x10240xi1>, vector<128x10240xf32>
      %reduce_min3A = arith.constant dense<0x7F800000> : vector<128xf32>
      %reduce_min3A_51 = vector.multi_reduction <minimumf>, %select_n3A_50, %reduce_min3A [1] : vector<128x10240xf32> to vector<128xf32>
      %broadcast_in_dim3A_52 = vector.shape_cast %reduce_min3A_51 : vector<128xf32> to vector<128x1xf32>
      %eq3A_53 = vector.broadcast %broadcast_in_dim3A_52 : vector<128x1xf32> to vector<128x10240xf32>
      %eq3A_54 = arith.cmpf oeq, %select_n3A_50, %eq3A_53 : vector<128x10240xf32>
      %jit3A_55 = arith.constant 1073741824 : i32
      %broadcast_in_dim3A_56 = vector.shape_cast %iota3A : vector<1x10240xi32> to vector<1x10240xi32>
      %broadcast_in_dim3A_57 = vector.broadcast %broadcast_in_dim3A_56 : vector<1x10240xi32> to vector<128x10240xi32>
      %broadcast_in_dim3A_58 = vector.broadcast %jit3A_55 : i32 to vector<128x10240xi32>
      %select_n3A_59 = arith.select %eq3A_54, %broadcast_in_dim3A_57, %broadcast_in_dim3A_58 : vector<128x10240xi1>, vector<128x10240xi32>
      %reduce_min3A_60 = arith.constant dense<2147483647> : vector<128xi32>
      %reduce_min3A_61 = vector.multi_reduction <minsi>, %select_n3A_59, %reduce_min3A_60 [1] : vector<128x10240xi32> to vector<128xi32>
      %broadcast_in_dim3A_62 = vector.shape_cast %reduce_min3A_61 : vector<128xi32> to vector<128x1xi32>
      %lt3A_63 = arith.constant 0x7F800000 : f32
      %lt3A_64 = vector.broadcast %lt3A_63 : f32 to vector<128x1xf32>
      %lt3A_65 = arith.cmpf olt, %broadcast_in_dim3A_52, %lt3A_64 : vector<128x1xf32>
      %jit3A_66 = arith.constant -1 : i32
      %broadcast_in_dim3A_67 = vector.broadcast %jit3A_66 : i32 to vector<128x1xi32>
      %select_n3A_68 = arith.select %lt3A_65, %broadcast_in_dim3A_62, %broadcast_in_dim3A_67 : vector<128x1xi1>, vector<128x1xi32>
      %eq3A_69 = vector.broadcast %scan3A_38 : i32 to vector<1x64xi32>
      %eq3A_70 = arith.cmpi eq, %iota3A_24, %eq3A_69 : vector<1x64xi32>
      %broadcast_in_dim3A_71 = vector.shape_cast %eq3A_70 : vector<1x64xi1> to vector<1x64xi1>
      %broadcast_in_dim3A_72 = vector.broadcast %broadcast_in_dim3A_71 : vector<1x64xi1> to vector<128x64xi1>
      %broadcast_in_dim3A_73 = vector.shape_cast %select_n3A_68 : vector<128x1xi32> to vector<128x1xi32>
      %broadcast_in_dim3A_74 = vector.broadcast %broadcast_in_dim3A_73 : vector<128x1xi32> to vector<128x64xi32>
      %select_n3A_75 = arith.select %broadcast_in_dim3A_72, %broadcast_in_dim3A_74, %scan3A_41 : vector<128x64xi1>, vector<128x64xi32>
      %lt3A_76 = arith.constant 0x7F800000 : f32
      %lt3A_77 = vector.broadcast %lt3A_76 : f32 to vector<128x1xf32>
      %lt3A_78 = arith.cmpf olt, %broadcast_in_dim3A_52, %lt3A_77 : vector<128x1xf32>
      %jit3A_79 = arith.constant 1073741824 : i32
      %broadcast_in_dim3A_80 = vector.broadcast %jit3A_79 : i32 to vector<128x1xi32>
      %select_n3A_81 = arith.select %lt3A_78, %broadcast_in_dim3A_62, %broadcast_in_dim3A_80 : vector<128x1xi1>, vector<128x1xi32>
      scf.yield %broadcast_in_dim3A_52, %select_n3A_81, %select_n3A_75 : vector<128x1xf32>, vector<128x1xi32>, vector<128x64xi32>
    }
    %scan3A_35 = arith.constant 64 : i32
    %swap3A = arith.constant 0 : index
    %swap3A_36 = arith.constant 0 : index
    %swap3A_37 = vector.load %arg3[%swap3A, %swap3A_36] : memref<128x64xi32, #tpu.memory_space<vmem>>, vector<128x64xi32>
    tpu.vector_store %arg3[%swap3A, %swap3A_36], %scan3A_34#2 {strides = array<i32>} : memref<128x64xi32, #tpu.memory_space<vmem>>, vector<128x64xi32>,
    return
  }
  func.func @transform_0(%arg0: i32) -> (i32, i32) {
    %c0_i32 = arith.constant 0 : i32
    %c0_i32_0 = arith.constant 0 : i32
    return %arg0, %c0_i32 : i32, i32
  }
  func.func @transform_1(%arg0: i32) -> (i32, i32) {
    %c0_i32 = arith.constant 0 : i32
    %c0_i32_0 = arith.constant 0 : i32
    %c0_i32_1 = arith.constant 0 : i32
    return %c0_i32, %c0_i32_0 : i32, i32
  }
  func.func @transform_2(%arg0: i32) -> (i32, i32) {
    %c0_i32 = arith.constant 0 : i32
    %c0_i32_0 = arith.constant 0 : i32
    return %arg0, %c0_i32 : i32, i32
  }
}

module attributes {stable_mosaic.version = 14 : i64} {
  func.func @_lin1_body(%arg0: i32, %arg1: memref<2000x256xf32, #tpu.memory_space<vmem>>, %arg2: memref<256x128xf32, #tpu.memory_space<vmem>>, %arg3: memref<1x128xf32, #tpu.memory_space<vmem>>, %arg4: memref<2000x128xf32, #tpu.memory_space<vmem>>) attributes {dimension_semantics = [#tpu.dimension_semantics<arbitrary>], iteration_bounds = array<i64: 5>, scalar_prefetch = 0 : i64, scratch_operands = 0 : i64, tpu.core_type = #tpu.core_type<tc>, window_params = [{transform_indices = @transform_0, window_bounds = array<i64: 2000, 256>}, {pipeline_mode = #tpu.pipeline_mode<synchronous>, transform_indices = @transform_1, window_bounds = array<i64: 256, 128>}, {pipeline_mode = #tpu.pipeline_mode<synchronous>, transform_indices = @transform_2, window_bounds = array<i64: 1, 128>}, {transform_indices = @transform_3, window_bounds = array<i64: 2000, 128>}]} {
    %get3A = arith.constant 0 : index
    %get3A_0 = arith.constant 0 : index
    %get3A_1 = vector.load %arg1[%get3A, %get3A_0] : memref<2000x256xf32, #tpu.memory_space<vmem>>, vector<2000x256xf32>
    %get3A_2 = arith.constant 0 : index
    %get3A_3 = arith.constant 0 : index
    %get3A_4 = vector.load %arg2[%get3A_2, %get3A_3] : memref<256x128xf32, #tpu.memory_space<vmem>>, vector<256x128xf32>
    %dot_general3A = arith.constant dense<0.000000e+00> : vector<2000x128xf32>
    %dot_general3A_5 = tpu.matmul %get3A_1, %get3A_4, %dot_general3A {dimension_numbers = #tpu.dot_dimension_numbers<[1], [0], [0], [1], [0, 0, 1, 1], [], []>, transpose_lhs_hint = false} : vector<2000x256xf32>, vector<256x128xf32>, vector<2000x128xf32> -> vector<2000x128xf32>
    %get3A_6 = arith.constant 0 : index
    %get3A_7 = arith.constant 0 : index
    %get3A_8 = vector.load %arg3[%get3A_6, %get3A_7] : memref<1x128xf32, #tpu.memory_space<vmem>>, vector<1x128xf32>
    %add3A = vector.broadcast %get3A_8 : vector<1x128xf32> to vector<2000x128xf32>
    %add3A_9 = arith.addf %dot_general3A_5, %add3A : vector<2000x128xf32>
    %swap3A = arith.constant 0 : index
    %swap3A_10 = arith.constant 0 : index
    %swap3A_11 = vector.load %arg4[%swap3A, %swap3A_10] : memref<2000x128xf32, #tpu.memory_space<vmem>>, vector<2000x128xf32>
    tpu.vector_store %arg4[%swap3A, %swap3A_10], %add3A_9 {strides = array<i32>} : memref<2000x128xf32, #tpu.memory_space<vmem>>, vector<2000x128xf32>,
    return
  }
  func.func @transform_0(%arg0: i32) -> (i32, i32) {
    %c0_i32 = arith.constant 0 : i32
    %c0_i32_0 = arith.constant 0 : i32
    return %arg0, %c0_i32 : i32, i32
  }
  func.func @transform_1(%arg0: i32) -> (i32, i32) {
    %c0_i32 = arith.constant 0 : i32
    %c0_i32_0 = arith.constant 0 : i32
    %c0_i32_1 = arith.constant 0 : i32
    return %c0_i32, %c0_i32_0 : i32, i32
  }
  func.func @transform_2(%arg0: i32) -> (i32, i32) {
    %c0_i32 = arith.constant 0 : i32
    %c0_i32_0 = arith.constant 0 : i32
    %c0_i32_1 = arith.constant 0 : i32
    return %c0_i32, %c0_i32_0 : i32, i32
  }
  func.func @transform_3(%arg0: i32) -> (i32, i32) {
    %c0_i32 = arith.constant 0 : i32
    %c0_i32_0 = arith.constant 0 : i32
    return %arg0, %c0_i32 : i32, i32
  }
}

module attributes {stable_mosaic.version = 14 : i64} {
  func.func @_mlp_body(%arg0: i32, %arg1: memref<2560xi32, #tpu.memory_space<smem>>, %arg2: memref<512x128xf32, #tpu.memory_space<vmem>>, %arg3: memref<8x8xf32, #tpu.memory_space<vmem>>, %arg4: memref<8x128xf32, #tpu.memory_space<vmem>>, %arg5: memref<128x128xf32, #tpu.memory_space<vmem>>, %arg6: memref<1x128xf32, #tpu.memory_space<vmem>>, %arg7: memref<8x128xf32, #tpu.memory_space<vmem>>) attributes {dimension_semantics = [#tpu.dimension_semantics<arbitrary>], iteration_bounds = array<i64: 320>, scalar_prefetch = 0 : i64, scratch_operands = 0 : i64, tpu.core_type = #tpu.core_type<tc>, window_params = [{transform_indices = @transform_0, window_bounds = array<i64: 2560>}, {transform_indices = @transform_1, window_bounds = array<i64: 512, 128>}, {transform_indices = @transform_2, window_bounds = array<i64: 8, 8>}, {pipeline_mode = #tpu.pipeline_mode<synchronous>, transform_indices = @transform_3, window_bounds = array<i64: 8, 128>}, {pipeline_mode = #tpu.pipeline_mode<synchronous>, transform_indices = @transform_4, window_bounds = array<i64: 128, 128>}, {pipeline_mode = #tpu.pipeline_mode<synchronous>, transform_indices = @transform_5, window_bounds = array<i64: 1, 128>}, {transform_indices = @transform_6, window_bounds = array<i64: 8, 128>}]} {
    %get3A = arith.constant 0 : index
    %get3A_0 = arith.constant 0 : index
    %get3A_1 = vector.load %arg3[%get3A, %get3A_0] : memref<8x8xf32, #tpu.memory_space<vmem>>, vector<8x8xf32>
    %get3A_2 = arith.constant 0 : index
    %get3A_3 = arith.constant 0 : index
    %get3A_4 = vector.load %arg4[%get3A_2, %get3A_3] : memref<8x128xf32, #tpu.memory_space<vmem>>, vector<8x128xf32>
    %dot_general3A = arith.constant dense<0.000000e+00> : vector<8x128xf32>
    %dot_general3A_5 = tpu.matmul %get3A_1, %get3A_4, %dot_general3A {dimension_numbers = #tpu.dot_dimension_numbers<[1], [0], [0], [1], [0, 0, 1, 1], [], []>, transpose_lhs_hint = false} : vector<8x8xf32>, vector<8x128xf32>, vector<8x128xf32> -> vector<8x128xf32>
    %iota3A = tpu.iota {dimensions = array<i32: 0>} : vector<512x8xi32>
    %jit3A = arith.constant 64 : i32
    %div3A = vector.broadcast %jit3A : i32 to vector<512x8xi32>
    %div3A_6 = arith.divsi %iota3A, %div3A : vector<512x8xi32>
    %sign3A = arith.constant 0 : i32
    %sign3A_7 = vector.broadcast %sign3A : i32 to vector<512x8xi32>
    %sign3A_8 = arith.cmpi sgt, %iota3A, %sign3A_7 : vector<512x8xi32>
    %sign3A_9 = arith.extui %sign3A_8 : vector<512x8xi1> to vector<512x8xi32>
    %sign3A_10 = arith.constant 0 : i32
    %sign3A_11 = vector.broadcast %sign3A_10 : i32 to vector<512x8xi32>
    %sign3A_12 = arith.cmpi slt, %iota3A, %sign3A_11 : vector<512x8xi32>
    %sign3A_13 = arith.extui %sign3A_12 : vector<512x8xi1> to vector<512x8xi32>
    %sign3A_14 = arith.subi %sign3A_9, %sign3A_13 : vector<512x8xi32>
    %sign3A_15 = arith.constant 0 : i32
    %sign3A_16 = arith.cmpi sgt, %jit3A, %sign3A_15 : i32
    %sign3A_17 = arith.extui %sign3A_16 : i1 to i32
    %sign3A_18 = arith.constant 0 : i32
    %sign3A_19 = arith.cmpi slt, %jit3A, %sign3A_18 : i32
    %sign3A_20 = arith.extui %sign3A_19 : i1 to i32
    %sign3A_21 = arith.subi %sign3A_17, %sign3A_20 : i32
    %ne3A = vector.broadcast %sign3A_21 : i32 to vector<512x8xi32>
    %ne3A_22 = arith.cmpi ne, %sign3A_14, %ne3A : vector<512x8xi32>
    %rem3A = vector.broadcast %jit3A : i32 to vector<512x8xi32>
    %rem3A_23 = arith.remsi %iota3A, %rem3A : vector<512x8xi32>
    %ne3A_24 = arith.constant 0 : i32
    %ne3A_25 = vector.broadcast %ne3A_24 : i32 to vector<512x8xi32>
    %ne3A_26 = arith.cmpi ne, %rem3A_23, %ne3A_25 : vector<512x8xi32>
    %and3A = arith.andi %ne3A_22, %ne3A_26 : vector<512x8xi1>
    %sub3A = arith.constant 1 : i32
    %sub3A_27 = vector.broadcast %sub3A : i32 to vector<512x8xi32>
    %sub3A_28 = arith.subi %div3A_6, %sub3A_27 : vector<512x8xi32>
    %select_n3A = arith.select %and3A, %sub3A_28, %div3A_6 : vector<512x8xi1>, vector<512x8xi32>
    %iota3A_29 = tpu.iota {dimensions = array<i32: 1>} : vector<512x8xi32>
    %eq3A = arith.cmpi eq, %select_n3A, %iota3A_29 : vector<512x8xi32>
    %convert_element_type3A = arith.extui %eq3A : vector<512x8xi1> to vector<512x8xi32>
    %convert_element_type3A_30 = arith.sitofp %convert_element_type3A : vector<512x8xi32> to vector<512x8xf32>
    %dot_general3A_31 = arith.constant dense<0.000000e+00> : vector<512x128xf32>
    %dot_general3A_32 = tpu.matmul %convert_element_type3A_30, %dot_general3A_5, %dot_general3A_31 {dimension_numbers = #tpu.dot_dimension_numbers<[1], [0], [0], [1], [0, 0, 1, 1], [], []>, transpose_lhs_hint = false} : vector<512x8xf32>, vector<8x128xf32>, vector<512x128xf32> -> vector<512x128xf32>
    %get3A_33 = arith.constant 0 : index
    %get3A_34 = arith.constant 0 : index
    %get3A_35 = vector.load %arg2[%get3A_33, %get3A_34] : memref<512x128xf32, #tpu.memory_space<vmem>>, vector<512x128xf32>
    %sub3A_36 = arith.subf %get3A_35, %dot_general3A_32 : vector<512x128xf32>
    %max3A = arith.constant 0.000000e+00 : f32
    %max3A_37 = vector.broadcast %max3A : f32 to vector<512x128xf32>
    %max3A_38 = arith.maximumf %sub3A_36, %max3A_37 : vector<512x128xf32>
    %get3A_39 = arith.constant 0 : index
    %get3A_40 = arith.constant 0 : index
    %get3A_41 = vector.load %arg5[%get3A_39, %get3A_40] : memref<128x128xf32, #tpu.memory_space<vmem>>, vector<128x128xf32>
    %dot_general3A_42 = arith.constant dense<0.000000e+00> : vector<512x128xf32>
    %dot_general3A_43 = tpu.matmul %max3A_38, %get3A_41, %dot_general3A_42 {dimension_numbers = #tpu.dot_dimension_numbers<[1], [0], [0], [1], [0, 0, 1, 1], [], []>, transpose_lhs_hint = false} : vector<512x128xf32>, vector<128x128xf32>, vector<512x128xf32> -> vector<512x128xf32>
    %get3A_44 = arith.constant 0 : index
    %get3A_45 = arith.constant 0 : index
    %get3A_46 = vector.load %arg6[%get3A_44, %get3A_45] : memref<1x128xf32, #tpu.memory_space<vmem>>, vector<1x128xf32>
    %add3A = vector.broadcast %get3A_46 : vector<1x128xf32> to vector<512x128xf32>
    %add3A_47 = arith.addf %dot_general3A_43, %add3A : vector<512x128xf32>
    %iota3A_48 = tpu.iota {dimensions = array<i32: 0>} : vector<512x128xi32>
    %jit3A_49 = arith.constant 64 : i32
    %eq3A_50 = arith.constant 0 : i32
    %eq3A_51 = arith.cmpi eq, %jit3A_49, %eq3A_50 : i32
    %jit3A_52 = arith.constant 1 : i32
    %select_n3A_53 = arith.select %eq3A_51, %jit3A_52, %jit3A_49 : i32
    %rem3A_54 = vector.broadcast %select_n3A_53 : i32 to vector<512x128xi32>
    %rem3A_55 = arith.remsi %iota3A_48, %rem3A_54 : vector<512x128xi32>
    %ne3A_56 = arith.constant 0 : i32
    %ne3A_57 = vector.broadcast %ne3A_56 : i32 to vector<512x128xi32>
    %ne3A_58 = arith.cmpi ne, %rem3A_55, %ne3A_57 : vector<512x128xi32>
    %lt3A = arith.constant 0 : i32
    %lt3A_59 = vector.broadcast %lt3A : i32 to vector<512x128xi32>
    %lt3A_60 = arith.cmpi slt, %rem3A_55, %lt3A_59 : vector<512x128xi32>
    %lt3A_61 = arith.constant 0 : i32
    %lt3A_62 = arith.cmpi slt, %select_n3A_53, %lt3A_61 : i32
    %ne3A_63 = vector.broadcast %lt3A_62 : i1 to vector<512x128xi1>
    %ne3A_64 = vector.broadcast %ne3A_63 : vector<512x128xi1> to vector<512x128xi1>
    %ne3A_65 = arith.xori %lt3A_60, %ne3A_64 : vector<512x128xi1>
    %and3A_66 = arith.andi %ne3A_65, %ne3A_58 : vector<512x128xi1>
    %add3A_67 = vector.broadcast %select_n3A_53 : i32 to vector<512x128xi32>
    %add3A_68 = arith.addi %rem3A_55, %add3A_67 : vector<512x128xi32>
    %select_n3A_69 = arith.select %and3A_66, %add3A_68, %rem3A_55 : vector<512x128xi1>, vector<512x128xi32>
    %jit3A_70 = arith.constant 64 : i32
    %div3A_71 = vector.broadcast %jit3A_70 : i32 to vector<512x128xi32>
    %div3A_72 = arith.divsi %iota3A_48, %div3A_71 : vector<512x128xi32>
    %sign3A_73 = arith.constant 0 : i32
    %sign3A_74 = vector.broadcast %sign3A_73 : i32 to vector<512x128xi32>
    %sign3A_75 = arith.cmpi sgt, %iota3A_48, %sign3A_74 : vector<512x128xi32>
    %sign3A_76 = arith.extui %sign3A_75 : vector<512x128xi1> to vector<512x128xi32>
    %sign3A_77 = arith.constant 0 : i32
    %sign3A_78 = vector.broadcast %sign3A_77 : i32 to vector<512x128xi32>
    %sign3A_79 = arith.cmpi slt, %iota3A_48, %sign3A_78 : vector<512x128xi32>
    %sign3A_80 = arith.extui %sign3A_79 : vector<512x128xi1> to vector<512x128xi32>
    %sign3A_81 = arith.subi %sign3A_76, %sign3A_80 : vector<512x128xi32>
    %sign3A_82 = arith.constant 0 : i32
    %sign3A_83 = arith.cmpi sgt, %jit3A_70, %sign3A_82 : i32
    %sign3A_84 = arith.extui %sign3A_83 : i1 to i32
    %sign3A_85 = arith.constant 0 : i32
    %sign3A_86 = arith.cmpi slt, %jit3A_70, %sign3A_85 : i32
    %sign3A_87 = arith.extui %sign3A_86 : i1 to i32
    %sign3A_88 = arith.subi %sign3A_84, %sign3A_87 : i32
    %ne3A_89 = vector.broadcast %sign3A_88 : i32 to vector<512x128xi32>
    %ne3A_90 = arith.cmpi ne, %sign3A_81, %ne3A_89 : vector<512x128xi32>
    %rem3A_91 = vector.broadcast %jit3A_70 : i32 to vector<512x128xi32>
    %rem3A_92 = arith.remsi %iota3A_48, %rem3A_91 : vector<512x128xi32>
    %ne3A_93 = arith.constant 0 : i32
    %ne3A_94 = vector.broadcast %ne3A_93 : i32 to vector<512x128xi32>
    %ne3A_95 = arith.cmpi ne, %rem3A_92, %ne3A_94 : vector<512x128xi32>
    %and3A_96 = arith.andi %ne3A_90, %ne3A_95 : vector<512x128xi1>
    %sub3A_97 = arith.constant 1 : i32
    %sub3A_98 = vector.broadcast %sub3A_97 : i32 to vector<512x128xi32>
    %sub3A_99 = arith.subi %div3A_72, %sub3A_98 : vector<512x128xi32>
    %select_n3A_100 = arith.select %and3A_96, %sub3A_99, %div3A_72 : vector<512x128xi1>, vector<512x128xi32>
    %broadcast_in_dim3A = arith.constant 0 : i32
    %broadcast_in_dim3A_101 = vector.broadcast %broadcast_in_dim3A : i32 to vector<512x128xi32>
    %eq3A_102 = arith.constant 0 : i32
    %eq3A_103 = vector.broadcast %eq3A_102 : i32 to vector<512x128xi32>
    %eq3A_104 = arith.cmpi eq, %select_n3A_100, %eq3A_103 : vector<512x128xi32>
    %mul3A = arith.constant 8 : i32
    %mul3A_105 = arith.muli %arg0, %mul3A : i32
    %add3A_106 = arith.constant 0 : i32
    %add3A_107 = arith.addi %mul3A_105, %add3A_106 : i32
    %get3A_108 = arith.index_cast %add3A_107 : i32 to index
    %get3A_109 = memref.load %arg1[%get3A_108] : memref<2560xi32, #tpu.memory_space<smem>>
    %broadcast_in_dim3A_110 = vector.broadcast %get3A_109 : i32 to vector<512x128xi32>
    %select_n3A_111 = arith.select %eq3A_104, %broadcast_in_dim3A_110, %broadcast_in_dim3A_101 : vector<512x128xi1>, vector<512x128xi32>
    %eq3A_112 = arith.constant 1 : i32
    %eq3A_113 = vector.broadcast %eq3A_112 : i32 to vector<512x128xi32>
    %eq3A_114 = arith.cmpi eq, %select_n3A_100, %eq3A_113 : vector<512x128xi32>
    %mul3A_115 = arith.constant 8 : i32
    %mul3A_116 = arith.muli %arg0, %mul3A_115 : i32
    %add3A_117 = arith.constant 1 : i32
    %add3A_118 = arith.addi %mul3A_116, %add3A_117 : i32
    %get3A_119 = arith.index_cast %add3A_118 : i32 to index
    %get3A_120 = memref.load %arg1[%get3A_119] : memref<2560xi32, #tpu.memory_space<smem>>
    %broadcast_in_dim3A_121 = vector.broadcast %get3A_120 : i32 to vector<512x128xi32>
    %select_n3A_122 = arith.select %eq3A_114, %broadcast_in_dim3A_121, %select_n3A_111 : vector<512x128xi1>, vector<512x128xi32>
    %eq3A_123 = arith.constant 2 : i32
    %eq3A_124 = vector.broadcast %eq3A_123 : i32 to vector<512x128xi32>
    %eq3A_125 = arith.cmpi eq, %select_n3A_100, %eq3A_124 : vector<512x128xi32>
    %mul3A_126 = arith.constant 8 : i32
    %mul3A_127 = arith.muli %arg0, %mul3A_126 : i32
    %add3A_128 = arith.constant 2 : i32
    %add3A_129 = arith.addi %mul3A_127, %add3A_128 : i32
    %get3A_130 = arith.index_cast %add3A_129 : i32 to index
    %get3A_131 = memref.load %arg1[%get3A_130] : memref<2560xi32, #tpu.memory_space<smem>>
    %broadcast_in_dim3A_132 = vector.broadcast %get3A_131 : i32 to vector<512x128xi32>
    %select_n3A_133 = arith.select %eq3A_125, %broadcast_in_dim3A_132, %select_n3A_122 : vector<512x128xi1>, vector<512x128xi32>
    %eq3A_134 = arith.constant 3 : i32
    %eq3A_135 = vector.broadcast %eq3A_134 : i32 to vector<512x128xi32>
    %eq3A_136 = arith.cmpi eq, %select_n3A_100, %eq3A_135 : vector<512x128xi32>
    %mul3A_137 = arith.constant 8 : i32
    %mul3A_138 = arith.muli %arg0, %mul3A_137 : i32
    %add3A_139 = arith.constant 3 : i32
    %add3A_140 = arith.addi %mul3A_138, %add3A_139 : i32
    %get3A_141 = arith.index_cast %add3A_140 : i32 to index
    %get3A_142 = memref.load %arg1[%get3A_141] : memref<2560xi32, #tpu.memory_space<smem>>
    %broadcast_in_dim3A_143 = vector.broadcast %get3A_142 : i32 to vector<512x128xi32>
    %select_n3A_144 = arith.select %eq3A_136, %broadcast_in_dim3A_143, %select_n3A_133 : vector<512x128xi1>, vector<512x128xi32>
    %eq3A_145 = arith.constant 4 : i32
    %eq3A_146 = vector.broadcast %eq3A_145 : i32 to vector<512x128xi32>
    %eq3A_147 = arith.cmpi eq, %select_n3A_100, %eq3A_146 : vector<512x128xi32>
    %mul3A_148 = arith.constant 8 : i32
    %mul3A_149 = arith.muli %arg0, %mul3A_148 : i32
    %add3A_150 = arith.constant 4 : i32
    %add3A_151 = arith.addi %mul3A_149, %add3A_150 : i32
    %get3A_152 = arith.index_cast %add3A_151 : i32 to index
    %get3A_153 = memref.load %arg1[%get3A_152] : memref<2560xi32, #tpu.memory_space<smem>>
    %broadcast_in_dim3A_154 = vector.broadcast %get3A_153 : i32 to vector<512x128xi32>
    %select_n3A_155 = arith.select %eq3A_147, %broadcast_in_dim3A_154, %select_n3A_144 : vector<512x128xi1>, vector<512x128xi32>
    %eq3A_156 = arith.constant 5 : i32
    %eq3A_157 = vector.broadcast %eq3A_156 : i32 to vector<512x128xi32>
    %eq3A_158 = arith.cmpi eq, %select_n3A_100, %eq3A_157 : vector<512x128xi32>
    %mul3A_159 = arith.constant 8 : i32
    %mul3A_160 = arith.muli %arg0, %mul3A_159 : i32
    %add3A_161 = arith.constant 5 : i32
    %add3A_162 = arith.addi %mul3A_160, %add3A_161 : i32
    %get3A_163 = arith.index_cast %add3A_162 : i32 to index
    %get3A_164 = memref.load %arg1[%get3A_163] : memref<2560xi32, #tpu.memory_space<smem>>
    %broadcast_in_dim3A_165 = vector.broadcast %get3A_164 : i32 to vector<512x128xi32>
    %select_n3A_166 = arith.select %eq3A_158, %broadcast_in_dim3A_165, %select_n3A_155 : vector<512x128xi1>, vector<512x128xi32>
    %eq3A_167 = arith.constant 6 : i32
    %eq3A_168 = vector.broadcast %eq3A_167 : i32 to vector<512x128xi32>
    %eq3A_169 = arith.cmpi eq, %select_n3A_100, %eq3A_168 : vector<512x128xi32>
    %mul3A_170 = arith.constant 8 : i32
    %mul3A_171 = arith.muli %arg0, %mul3A_170 : i32
    %add3A_172 = arith.constant 6 : i32
    %add3A_173 = arith.addi %mul3A_171, %add3A_172 : i32
    %get3A_174 = arith.index_cast %add3A_173 : i32 to index
    %get3A_175 = memref.load %arg1[%get3A_174] : memref<2560xi32, #tpu.memory_space<smem>>
    %broadcast_in_dim3A_176 = vector.broadcast %get3A_175 : i32 to vector<512x128xi32>
    %select_n3A_177 = arith.select %eq3A_169, %broadcast_in_dim3A_176, %select_n3A_166 : vector<512x128xi1>, vector<512x128xi32>
    %eq3A_178 = arith.constant 7 : i32
    %eq3A_179 = vector.broadcast %eq3A_178 : i32 to vector<512x128xi32>
    %eq3A_180 = arith.cmpi eq, %select_n3A_100, %eq3A_179 : vector<512x128xi32>
    %mul3A_181 = arith.constant 8 : i32
    %mul3A_182 = arith.muli %arg0, %mul3A_181 : i32
    %add3A_183 = arith.constant 7 : i32
    %add3A_184 = arith.addi %mul3A_182, %add3A_183 : i32
    %get3A_185 = arith.index_cast %add3A_184 : i32 to index
    %get3A_186 = memref.load %arg1[%get3A_185] : memref<2560xi32, #tpu.memory_space<smem>>
    %broadcast_in_dim3A_187 = vector.broadcast %get3A_186 : i32 to vector<512x128xi32>
    %select_n3A_188 = arith.select %eq3A_180, %broadcast_in_dim3A_187, %select_n3A_177 : vector<512x128xi1>, vector<512x128xi32>
    %lt3A_189 = arith.cmpi slt, %select_n3A_69, %select_n3A_188 : vector<512x128xi32>
    %jit3A_190 = arith.constant 0xFF800000 : f32
    %broadcast_in_dim3A_191 = vector.broadcast %jit3A_190 : f32 to vector<512x128xf32>
    %select_n3A_192 = arith.select %lt3A_189, %add3A_47, %broadcast_in_dim3A_191 : vector<512x128xi1>, vector<512x128xf32>
    %iota3A_193 = tpu.iota {dimensions = array<i32: 0>} : vector<8x128xi32>
    %broadcast_in_dim3A_194 = arith.constant 0xFF800000 : f32
    %broadcast_in_dim3A_195 = vector.broadcast %broadcast_in_dim3A_194 : f32 to vector<8x128xf32>
    %slice3A = vector.extract_strided_slice %select_n3A_192 {offsets = [0, 0], sizes = [64, 128], strides = [1, 1]} : vector<512x128xf32> to vector<64x128xf32>
    %reduce_max3A = arith.constant dense<0xFF800000> : vector<128xf32>
    %reduce_max3A_196 = vector.multi_reduction <maximumf>, %slice3A, %reduce_max3A [0] : vector<64x128xf32> to vector<128xf32>
    %broadcast_in_dim3A_197 = vector.shape_cast %reduce_max3A_196 : vector<128xf32> to vector<1x128xf32>
    %eq3A_198 = arith.constant 0 : i32
    %eq3A_199 = vector.broadcast %eq3A_198 : i32 to vector<8x128xi32>
    %eq3A_200 = arith.cmpi eq, %iota3A_193, %eq3A_199 : vector<8x128xi32>
    %broadcast_in_dim3A_201 = vector.shape_cast %broadcast_in_dim3A_197 : vector<1x128xf32> to vector<1x128xf32>
    %broadcast_in_dim3A_202 = vector.broadcast %broadcast_in_dim3A_201 : vector<1x128xf32> to vector<8x128xf32>
    %select_n3A_203 = arith.select %eq3A_200, %broadcast_in_dim3A_202, %broadcast_in_dim3A_195 : vector<8x128xi1>, vector<8x128xf32>
    %slice3A_204 = vector.extract_strided_slice %select_n3A_192 {offsets = [64, 0], sizes = [64, 128], strides = [1, 1]} : vector<512x128xf32> to vector<64x128xf32>
    %reduce_max3A_205 = arith.constant dense<0xFF800000> : vector<128xf32>
    %reduce_max3A_206 = vector.multi_reduction <maximumf>, %slice3A_204, %reduce_max3A_205 [0] : vector<64x128xf32> to vector<128xf32>
    %broadcast_in_dim3A_207 = vector.shape_cast %reduce_max3A_206 : vector<128xf32> to vector<1x128xf32>
    %eq3A_208 = arith.constant 1 : i32
    %eq3A_209 = vector.broadcast %eq3A_208 : i32 to vector<8x128xi32>
    %eq3A_210 = arith.cmpi eq, %iota3A_193, %eq3A_209 : vector<8x128xi32>
    %broadcast_in_dim3A_211 = vector.shape_cast %broadcast_in_dim3A_207 : vector<1x128xf32> to vector<1x128xf32>
    %broadcast_in_dim3A_212 = vector.broadcast %broadcast_in_dim3A_211 : vector<1x128xf32> to vector<8x128xf32>
    %select_n3A_213 = arith.select %eq3A_210, %broadcast_in_dim3A_212, %select_n3A_203 : vector<8x128xi1>, vector<8x128xf32>
    %slice3A_214 = vector.extract_strided_slice %select_n3A_192 {offsets = [128, 0], sizes = [64, 128], strides = [1, 1]} : vector<512x128xf32> to vector<64x128xf32>
    %reduce_max3A_215 = arith.constant dense<0xFF800000> : vector<128xf32>
    %reduce_max3A_216 = vector.multi_reduction <maximumf>, %slice3A_214, %reduce_max3A_215 [0] : vector<64x128xf32> to vector<128xf32>
    %broadcast_in_dim3A_217 = vector.shape_cast %reduce_max3A_216 : vector<128xf32> to vector<1x128xf32>
    %eq3A_218 = arith.constant 2 : i32
    %eq3A_219 = vector.broadcast %eq3A_218 : i32 to vector<8x128xi32>
    %eq3A_220 = arith.cmpi eq, %iota3A_193, %eq3A_219 : vector<8x128xi32>
    %broadcast_in_dim3A_221 = vector.shape_cast %broadcast_in_dim3A_217 : vector<1x128xf32> to vector<1x128xf32>
    %broadcast_in_dim3A_222 = vector.broadcast %broadcast_in_dim3A_221 : vector<1x128xf32> to vector<8x128xf32>
    %select_n3A_223 = arith.select %eq3A_220, %broadcast_in_dim3A_222, %select_n3A_213 : vector<8x128xi1>, vector<8x128xf32>
    %slice3A_224 = vector.extract_strided_slice %select_n3A_192 {offsets = [192, 0], sizes = [64, 128], strides = [1, 1]} : vector<512x128xf32> to vector<64x128xf32>
    %reduce_max3A_225 = arith.constant dense<0xFF800000> : vector<128xf32>
    %reduce_max3A_226 = vector.multi_reduction <maximumf>, %slice3A_224, %reduce_max3A_225 [0] : vector<64x128xf32> to vector<128xf32>
    %broadcast_in_dim3A_227 = vector.shape_cast %reduce_max3A_226 : vector<128xf32> to vector<1x128xf32>
    %eq3A_228 = arith.constant 3 : i32
    %eq3A_229 = vector.broadcast %eq3A_228 : i32 to vector<8x128xi32>
    %eq3A_230 = arith.cmpi eq, %iota3A_193, %eq3A_229 : vector<8x128xi32>
    %broadcast_in_dim3A_231 = vector.shape_cast %broadcast_in_dim3A_227 : vector<1x128xf32> to vector<1x128xf32>
    %broadcast_in_dim3A_232 = vector.broadcast %broadcast_in_dim3A_231 : vector<1x128xf32> to vector<8x128xf32>
    %select_n3A_233 = arith.select %eq3A_230, %broadcast_in_dim3A_232, %select_n3A_223 : vector<8x128xi1>, vector<8x128xf32>
    %slice3A_234 = vector.extract_strided_slice %select_n3A_192 {offsets = [256, 0], sizes = [64, 128], strides = [1, 1]} : vector<512x128xf32> to vector<64x128xf32>
    %reduce_max3A_235 = arith.constant dense<0xFF800000> : vector<128xf32>
    %reduce_max3A_236 = vector.multi_reduction <maximumf>, %slice3A_234, %reduce_max3A_235 [0] : vector<64x128xf32> to vector<128xf32>
    %broadcast_in_dim3A_237 = vector.shape_cast %reduce_max3A_236 : vector<128xf32> to vector<1x128xf32>
    %eq3A_238 = arith.constant 4 : i32
    %eq3A_239 = vector.broadcast %eq3A_238 : i32 to vector<8x128xi32>
    %eq3A_240 = arith.cmpi eq, %iota3A_193, %eq3A_239 : vector<8x128xi32>
    %broadcast_in_dim3A_241 = vector.shape_cast %broadcast_in_dim3A_237 : vector<1x128xf32> to vector<1x128xf32>
    %broadcast_in_dim3A_242 = vector.broadcast %broadcast_in_dim3A_241 : vector<1x128xf32> to vector<8x128xf32>
    %select_n3A_243 = arith.select %eq3A_240, %broadcast_in_dim3A_242, %select_n3A_233 : vector<8x128xi1>, vector<8x128xf32>
    %slice3A_244 = vector.extract_strided_slice %select_n3A_192 {offsets = [320, 0], sizes = [64, 128], strides = [1, 1]} : vector<512x128xf32> to vector<64x128xf32>
    %reduce_max3A_245 = arith.constant dense<0xFF800000> : vector<128xf32>
    %reduce_max3A_246 = vector.multi_reduction <maximumf>, %slice3A_244, %reduce_max3A_245 [0] : vector<64x128xf32> to vector<128xf32>
    %broadcast_in_dim3A_247 = vector.shape_cast %reduce_max3A_246 : vector<128xf32> to vector<1x128xf32>
    %eq3A_248 = arith.constant 5 : i32
    %eq3A_249 = vector.broadcast %eq3A_248 : i32 to vector<8x128xi32>
    %eq3A_250 = arith.cmpi eq, %iota3A_193, %eq3A_249 : vector<8x128xi32>
    %broadcast_in_dim3A_251 = vector.shape_cast %broadcast_in_dim3A_247 : vector<1x128xf32> to vector<1x128xf32>
    %broadcast_in_dim3A_252 = vector.broadcast %broadcast_in_dim3A_251 : vector<1x128xf32> to vector<8x128xf32>
    %select_n3A_253 = arith.select %eq3A_250, %broadcast_in_dim3A_252, %select_n3A_243 : vector<8x128xi1>, vector<8x128xf32>
    %slice3A_254 = vector.extract_strided_slice %select_n3A_192 {offsets = [384, 0], sizes = [64, 128], strides = [1, 1]} : vector<512x128xf32> to vector<64x128xf32>
    %reduce_max3A_255 = arith.constant dense<0xFF800000> : vector<128xf32>
    %reduce_max3A_256 = vector.multi_reduction <maximumf>, %slice3A_254, %reduce_max3A_255 [0] : vector<64x128xf32> to vector<128xf32>
    %broadcast_in_dim3A_257 = vector.shape_cast %reduce_max3A_256 : vector<128xf32> to vector<1x128xf32>
    %eq3A_258 = arith.constant 6 : i32
    %eq3A_259 = vector.broadcast %eq3A_258 : i32 to vector<8x128xi32>
    %eq3A_260 = arith.cmpi eq, %iota3A_193, %eq3A_259 : vector<8x128xi32>
    %broadcast_in_dim3A_261 = vector.shape_cast %broadcast_in_dim3A_257 : vector<1x128xf32> to vector<1x128xf32>
    %broadcast_in_dim3A_262 = vector.broadcast %broadcast_in_dim3A_261 : vector<1x128xf32> to vector<8x128xf32>
    %select_n3A_263 = arith.select %eq3A_260, %broadcast_in_dim3A_262, %select_n3A_253 : vector<8x128xi1>, vector<8x128xf32>
    %slice3A_264 = vector.extract_strided_slice %select_n3A_192 {offsets = [448, 0], sizes = [64, 128], strides = [1, 1]} : vector<512x128xf32> to vector<64x128xf32>
    %reduce_max3A_265 = arith.constant dense<0xFF800000> : vector<128xf32>
    %reduce_max3A_266 = vector.multi_reduction <maximumf>, %slice3A_264, %reduce_max3A_265 [0] : vector<64x128xf32> to vector<128xf32>
    %broadcast_in_dim3A_267 = vector.shape_cast %reduce_max3A_266 : vector<128xf32> to vector<1x128xf32>
    %eq3A_268 = arith.constant 7 : i32
    %eq3A_269 = vector.broadcast %eq3A_268 : i32 to vector<8x128xi32>
    %eq3A_270 = arith.cmpi eq, %iota3A_193, %eq3A_269 : vector<8x128xi32>
    %broadcast_in_dim3A_271 = vector.shape_cast %broadcast_in_dim3A_267 : vector<1x128xf32> to vector<1x128xf32>
    %broadcast_in_dim3A_272 = vector.broadcast %broadcast_in_dim3A_271 : vector<1x128xf32> to vector<8x128xf32>
    %select_n3A_273 = arith.select %eq3A_270, %broadcast_in_dim3A_272, %select_n3A_263 : vector<8x128xi1>, vector<8x128xf32>
    %is_finite3A = tpu.weird %select_n3A_273 : vector<8x128xf32> -> vector<8x128xi1>
    %is_finite3A_274 = arith.constant dense<true> : vector<8x128xi1>
    %is_finite3A_275 = arith.xori %is_finite3A, %is_finite3A_274 : vector<8x128xi1>
    %jit3A_276 = arith.constant 0.000000e+00 : f32
    %broadcast_in_dim3A_277 = vector.broadcast %jit3A_276 : f32 to vector<8x128xf32>
    %select_n3A_278 = arith.select %is_finite3A_275, %select_n3A_273, %broadcast_in_dim3A_277 : vector<8x128xi1>, vector<8x128xf32>
    %swap3A = arith.constant 0 : index
    %swap3A_279 = arith.constant 0 : index
    %swap3A_280 = vector.load %arg7[%swap3A, %swap3A_279] : memref<8x128xf32, #tpu.memory_space<vmem>>, vector<8x128xf32>
    tpu.vector_store %arg7[%swap3A, %swap3A_279], %select_n3A_278 {strides = array<i32>} : memref<8x128xf32, #tpu.memory_space<vmem>>, vector<8x128xf32>,
    return
  }
  func.func @transform_0(%arg0: i32) -> i32 {
    %c0_i32 = arith.constant 0 : i32
    %c0_i32_0 = arith.constant 0 : i32
    return %c0_i32 : i32
  }
  func.func @transform_1(%arg0: i32) -> (i32, i32) {
    %c0_i32 = arith.constant 0 : i32
    %c0_i32_0 = arith.constant 0 : i32
    return %arg0, %c0_i32 : i32, i32
  }
  func.func @transform_2(%arg0: i32) -> (i32, i32) {
    %c0_i32 = arith.constant 0 : i32
    %c0_i32_0 = arith.constant 0 : i32
    return %arg0, %c0_i32 : i32, i32
  }
  func.func @transform_3(%arg0: i32) -> (i32, i32) {
    %c0_i32 = arith.constant 0 : i32
    %c0_i32_0 = arith.constant 0 : i32
    %c0_i32_1 = arith.constant 0 : i32
    return %c0_i32, %c0_i32_0 : i32, i32
  }
  func.func @transform_4(%arg0: i32) -> (i32, i32) {
    %c0_i32 = arith.constant 0 : i32
    %c0_i32_0 = arith.constant 0 : i32
    %c0_i32_1 = arith.constant 0 : i32
    return %c0_i32, %c0_i32_0 : i32, i32
  }
  func.func @transform_5(%arg0: i32) -> (i32, i32) {
    %c0_i32 = arith.constant 0 : i32
    %c0_i32_0 = arith.constant 0 : i32
    %c0_i32_1 = arith.constant 0 : i32
    return %c0_i32, %c0_i32_0 : i32, i32
  }
  func.func @transform_6(%arg0: i32) -> (i32, i32) {
    %c0_i32 = arith.constant 0 : i32
    %c0_i32_0 = arith.constant 0 : i32
    return %arg0, %c0_i32 : i32, i32
  }
}

</mosaic_0001>

<sc_bundles>
// kernel: kernel.7.cloned.1.call-start
scs
__scs_entry_jumppad:
0x0: {  	(pc) =	sbr.rel $0x88, $3  }
0x1: {  	(tag) =	ssettag $0x0;
	lr =	simm.s32 $0x1  }
0x2: {  	[smem:$0x3F99] =	sst lr;
	_ =	strace $0xD0000000  }
0x3: {  	_ = 	snop  }
0x4: {  	_ = 	snop  }
0x5: {  	_ = 	snop  }
0x6: {  	_ = 	snop  }
0x7: {  	_ = 	snop  }
__scs_overlays_trampoline_lowered:
0x8: {  	[smem:$0x3FA8] =	sst s0  }
0x9: {  	[smem:$0x3FA9] =	sst s1  }
0xa: {  	[smem:$0x3FAA] =	sst s2  }
0xb: {  	[smem:$0x3FAB] =	sst s3  }
0xc: {  	[smem:$0x3FAC] =	sst s4  }
0xd: {  	[smem:$0x3FAD] =	sst s5  }
0xe: {  	[smem:$0x3FAE] =	sst s6  }
0xf: {  	[smem:$0x3FAF] =	sst s7  }
0x10: {  	[smem:$0x3FB0] =	sst s8  }
0x11: {  	[smem:$0x3FB1] =	sst s9;
	s0 =	simm.s32 @!p0 $0x0  }
0x12: {  	s1 =	sld [smem:$0x3F97];
	s0 =	simm.s32 @p0 $0x1  }
0x13: {  	[smem:$0x3FB2] =	sst s0;
	s0 =	simm.s32 @!p1 $0x0  }
0x14: {  	s2 =	sld [smem:$0x3F96];
	s0 =	simm.s32 @p1 $0x1  }
0x15: {  	[smem:$0x3FB3] =	sst s0;
	s0 =	simm.s32 @!p2 $0x0  }
0x16: {  	s3 =	sld [smem:$0x3FDB];
	s0 =	simm.s32 @p2 $0x1  }
0x17: {  	s4 =	simm.s32 $0x1BF5;
	[smem:$0x3FB5] =	sst s0  }
0x18: {  	s0 =	sld [smem:$0x3F98];
	_ =	swait.ge [sflag:s4], $0x0  }
0x19: {  	s7 =	sld [smem:$0x3F99]  }
0x1a: {  	s8 =	sadd.s32 $0xFFFFE003, lr  }
0x1b: {  	s9 =	sadd.s32 $0xFFFFFEF7, lr;
	s5 =	simm.s32 $0xFFFFFFFF;
	p2 =	slt.u32 s8, $0xFFFFF086  }
0x1c: {  	p1 =	slt.u32 s9, $0xF7A;
	s5 =	simm.s32 @!p2 $0x0  }
0x1d: {  	s5 =	simm.s32 @p1 $0x1;
	p0 =	seq.s32 s7, s2  }
0x1e: {  	s7 =	smul.u32 @!p0 $0xF7A, s2;
	p2 =	seq.s32 @!p0 s5, $0x0  }
0x1f: {  	s9 =	smul.u32 $0xF7A, s1;
	s8 =	simm.s32 @!p0 $0x1BF5;
	p2 =	por !p2, p0  }
0x20: {  	[sflag:s8] =	ssyncset.s32 @!p0 $0xFFFFF086;
	s6 =	sadd.s32 @!p0 s3, s7;
	s7 =	simm.s32 @!p0 $0x108  }
0x21: {  	s3 =	sadd.s32 s3, s9;
	s6 =	sadd.s32 @!p0 $0x88, s6;
	s7 =	simm.s32 @p2 $0x1082  }
0x22: {  	[simem:s7], [sflag:s8] =	dma.local @!p0 [hbm:s6], $0xF7A  }
0x23: {  	s9 =	sor.u32 $0xD0000000, s2;
	s6 =	simm.s32 $0x108;
	_ =	swait.ge @!p0 [sflag:s8], $0x0  }
0x24: {  	s3 =	sadd.s32 $0x88, s3;
	s6 =	simm.s32 @!p1 $0x1082;
	[sflag:s4] =	ssyncset.s32 $0xFFFFF086  }
0x25: {  	[simem:s6], [sflag:s4] =	dma.local [hbm:s3], $0xF7A  }
0x26: {  	[smem:$0x3F99] =	sst s1;
	(tag) =	ssettag s2;
	_ =	strace s9  }
0x27: {  	s1 =	sld [smem:$0x3FA9]  }
0x28: {  	s2 =	sld [smem:$0x3FAA]  }
0x29: {  	s4 =	sld [smem:$0x3FAC]  }
0x2a: {  	p0 =	seq.s32 s5, $0x0;
	s5 =	sld [smem:$0x3FAD]  }
0x2b: {  	s6 =	sld [smem:$0x3FAE]  }
0x2c: {  	s7 =	sld [smem:$0x3FAF]  }
0x2d: {  	s3 =	simm.s32 $0x108;
	s8 =	sld [smem:$0x3FB0]  }
0x2e: {  	s3 =	simm.s32 @!p0 $0x1082;
	s9 =	sld [smem:$0x3FB1]  }
0x2f: {  	lr =	sadd.s32 s0, s3;
	s0 =	sld [smem:$0x3FA8]  }
0x30: {  	s3 =	sld [smem:$0x3FAB]  }
0x31: {  	[smem:$0x3FB4] =	sst s10  }
0x32: {  	s10 =	sld [smem:$0x3FB2];
	_ =	sdelay $0x3  }
0x33: {  	p0 =	seq.s32 s10, $0x1;
	s10 =	sld [smem:$0x3FB4];
	_ =	sdelay $0x3  }
0x34: {  	[smem:$0x3FB4] =	sst s10  }
0x35: {  	s10 =	sld [smem:$0x3FB3];
	_ =	sdelay $0x3  }
0x36: {  	p1 =	seq.s32 s10, $0x1;
	s10 =	sld [smem:$0x3FB4];
	_ =	sdelay $0x3  }
0x37: {  	[smem:$0x3FB4] =	sst s10  }
0x38: {  	s10 =	sld [smem:$0x3FB5]  }
0x39: {  	_ = 	snop;
	(pc) =	sbr.ind lr, $3  }
0x3a: {  	_ = 	snop  }
0x3b: {  	_ = 	snop  }
0x3c: {  	p2 =	seq.s32 s10, $0x1;
	s10 =	sld [smem:$0x3FB4]  }
0x3d: {  	_ =	shalt  }
0x3e: {  	_ =	shalt  }
0x3f: {  	_ =	shalt  }
0x40: {  	_ =	shalt  }
0x41: {  	_ =	shalt  }
0x42: {  	_ =	shalt  }
0x43: {  	_ =	shalt  }
0x44: {  	_ =	shalt  }
0x45: {  	_ =	shalt  }
0x46: {  	_ =	shalt  }
0x47: {  	_ =	shalt  }
0x48: {  	_ =	shalt  }
0x49: {  	_ =	shalt  }
0x4a: {  	_ =	shalt  }
0x4b: {  	_ =	shalt  }
0x4c: {  	_ =	shalt  }
0x4d: {  	_ =	shalt  }
0x4e: {  	_ =	shalt  }
0x4f: {  	_ =	shalt  }
0x50: {  	_ =	shalt  }
0x51: {  	_ =	shalt  }
0x52: {  	_ =	shalt  }
0x53: {  	_ =	shalt  }
0x54: {  	_ =	shalt  }
0x55: {  	_ =	shalt  }
0x56: {  	_ =	shalt  }
0x57: {  	_ =	shalt  }
0x58: {  	_ =	shalt  }
0x59: {  	_ =	shalt  }
0x5a: {  	_ =	shalt  }
0x5b: {  	_ =	shalt  }
0x5c: {  	_ =	shalt  }
0x5d: {  	_ =	shalt  }
0x5e: {  	_ =	shalt  }
0x5f: {  	_ =	shalt  }
0x60: {  	_ =	shalt  }
0x61: {  	_ =	shalt  }
0x62: {  	_ =	shalt  }
0x63: {  	_ =	shalt  }
0x64: {  	_ =	shalt  }
0x65: {  	_ =	shalt  }
0x66: {  	_ =	shalt  }
0x67: {  	_ =	shalt  }
0x68: {  	_ =	shalt  }
0x69: {  	_ =	shalt  }
0x6a: {  	_ =	shalt  }
0x6b: {  	_ =	shalt  }
0x6c: {  	_ =	shalt  }
0x6d: {  	_ =	shalt  }
0x6e: {  	_ =	shalt  }
0x6f: {  	_ =	shalt  }
0x70: {  	_ =	shalt  }
0x71: {  	_ =	shalt  }
0x72: {  	_ =	shalt  }
0x73: {  	_ =	shalt  }
0x74: {  	_ =	shalt  }
0x75: {  	_ =	shalt  }
0x76: {  	_ =	shalt  }
0x77: {  	_ =	shalt  }
0x78: {  	_ =	shalt  }
0x79: {  	_ =	shalt  }
0x7a: {  	_ =	shalt  }
0x7b: {  	_ =	shalt  }
0x7c: {  	_ =	shalt  }
0x7d: {  	_ =	shalt  }
0x7e: {  	_ =	shalt  }
0x7f: {  	_ =	shalt  }
0x80: {  	_ =	shalt  }
0x81: {  	_ =	shalt  }
0x82: {  	_ =	shalt  }
0x83: {  	_ =	shalt  }
0x84: {  	_ =	shalt  }
0x85: {  	_ =	shalt  }
0x86: {  	_ =	shalt  }
0x87: {  	_ =	shalt  }
.Lfunc_end0:
.L_simem_size_0:
called_computation_lowered:
.L_overlay_start_0:
0x88: {  	s2 =	sld [smem:$0x3FD9]  }
0x89: {  	s3 =	sld [smem:$0x3FFE];
	_ =	sdelay $0x1  }
0x8a: {  	s1 =	srdreg.scid  }
0x8b: {  	s0 =	sand.u32 $0x1, s1  }
0x8c: {  	s14 =	sshll.u32 s0, $0xA;
	s2 =	sadd.s32 s3, s2  }
0x8d: {  	s2 =	sadd.s32 s2, s14  }
0x8e: {  	[smem:$0x3FC0] =	sst s2  }
0x8f: {  	_ = 	snop  }
0x90: {  	s2 =	sld [smem:$0x3FD0];
	_ =	sdelay $0x2  }
0x91: {  	s15 =	simm.s32 $0xA;
	s4 =	simm.s32 $0x10  }
0x92: {  	[smem:s4], [sflag:s15] =	dma.local [hbm:s2], $0x1  }
0x93: {  	_ =	swait.eq [sflag:s15], $0x1  }
0x94: {  	[sflag:s15] =	ssyncset.done $0x0  }
0x95: {  	[sflag:s15] =	ssyncadd.s32 $0xFFFFFFFF  }
0x96: {  	s16 =	sld [smem:$0x10];
	(tm) =	ssettm $0x1  }
0x97: {  	s17 =	sld [smem:$0x3FFB];
	_ =	sdelay $0x3  }
0x98: {  	_ =	strace s17  }
0x99: {  	s3 =	sld [smem:$0x3FFC];
	_ =	sdelay $0x3  }
0x9a: {  	_ =	strace s3  }
0x9b: {  	s3 =	sld [smem:$0x3FFD];
	_ =	sdelay $0x3  }
0x9c: {  	_ =	strace s3  }
0x9d: {  	_ =	strace $0x8FFFFFFF  }
0x9e: {  	s18 =	sld [smem:$0x3FDB];
	_ =	sdelay $0x1  }
0x9f: {  	s19 =	simm.s32 $_scs_section_size  }
0xa0: {  	s5 =	simm.s32 $_size__tile_overlayer_lowered;
	s6 =	simm.s32 $_tile_overlayer_lowered  }
0xa1: {  	s22 =	simm.s32 $0x1BFF;
	s21 =	sshll.u32 s6, $0x1;
	s3 =	sadd.s32 s19, s18  }
0xa2: {  	s7 =	simm.s32 $0x0;
	s20 =	sshll.u32 s5, $0x1;
	s5 =	sadd.s32 s21, s3  }
0xa3: {  	[timem:s7], [sflag:s22] =	dma.local [hbm:s5], s20  }
0xa4: {  	_ =	swait.ge [sflag:s22], s20  }
0xa5: {  	s4 =	ssub.s32 $0x0, s20;
	[sflag:s22] =	ssyncset.done $0x0  }
0xa6: {  	[sflag:s22] =	ssyncadd.s32 s4;
	_ =	sdelay $0x1  }
0xa7: {  	s23 =	simm.s32 $0x1B8B  }
0xa8: {  	_ =	swait.ge [sflag:s23], $0x1  }
0xa9: {  	[sflag:s23] =	ssyncset.done $0x0  }
0xaa: {  	s25 =	simm.s32 $0x1B8E;
	s24 =	sld [smem:$0x3FFE];
	[sflag:s23] =	ssyncadd.s32 $0xFFFFFFFF  }
0xab: {  	s26 =	simm.s32 $execute0_lowered;
	[smem:$0x3FD2] =	sst s25  }
0xac: {  	s5 =	sshll.u32 s26, $0x1;
	_ =	strace $0x80000046;
	[dreg:$0x1] =	wrdreg $0xFFFFFFFF  }
0xad: {  	s28 =	simm.s32 $_size_execute0_lowered;
	s3 =	sadd.s32 s3, s5;
	[dreg:$0x0] =	wrdreg $0x0  }
0xae: {  	s5 =	sshll.u32 s28, $0x1;
	[dreg:$0x2] =	wrdreg s3  }
0xaf: {  	[dreg:$0x3] =	wrdreg s5  }
0xb0: {  	[dreg:$0x4] =	wrdreg $0xC0  }
0xb1: {  	_ =	task [dreg:s7], $0x5FFFF  }
0xb2: {  	[dreg:$0x1] =	wrdreg $0xFFFFFFFF  }
0xb3: {  	[dreg:$0x0] =	wrdreg $0x60  }
0xb4: {  	[dreg:$0x2] =	wrdreg s24  }
0xb5: {  	[dreg:$0x3] =	wrdreg s16  }
0xb6: {  	[dreg:$0x4] =	wrdreg $0x9  }
0xb7: {  	_ =	task.clear_ibuf [dreg:s7], $0x5FFFF;
	_ =	strace $0x90000046  }
0xb8: {  	s29 =	simm.s32 $0x9;
	_ =	strace $0x80000048  }
0xb9: {  	_ =	swait.ge [sflag:s29], $0x1  }
0xba: {  	[sflag:s29] =	ssyncadd.s32 $0xFFFFFFFF  }
0xbb: {  	_ =	strace $0x90000048  }
0xbc: {  	_ =	sfence  }
0xbd: {  	s30 =	sld [smem:$0x0];
	_ =	sdelay $0x2  }
0xbe: {  	s31 =	sshll.u32 s1, $0xD;
	s1 =	sshrl.u32 s1, $0x2  }
0xbf: {  	s3 =	sand.u32 $0x4000, s31;
	s1 =	sadd.s32 s1, s30  }
0xc0: {  	s0 =	sor.u32 s3, s0;
	s1 =	sshll.u32 s1, $0x11  }
0xc1: {  	s0 =	sor.u32 s1, s0  }
0xc2: {  	s0 =	sadd.s32 $0x8F2B, s0  }
0xc3: {  	[sflag:s0] =	ssyncadd.remote.s32 $0x1  }
0xc4: {  	_ =	sfence.sel $0xFFFF  }
0xc5: {  	[dreg:$0x0] =	wrdreg $0xFFFFFFFF;
	(pc) =	sbr.abs _section_cstart, $3  }
0xc6: {  	[dreg:$0x1] =	wrdreg $0xFFFFFFFF  }
0xc7: {  	_ =	task.clear_ibuf [dreg:s7], $0x2FFFF;
	_ =	strace $0x9FFFFFFF  }
0xc8: {  	(tm) =	ssettm $0x7FFFFFFF  }
0xc9: {  	_ =	shalt  }
tec
execute0_lowered:
.L_overlay_start_1:
0x0: {  	(tag) =	ssettag $0x1  }
0x1: {  	s3 =	rddreg [dreg:$0x0]  }
0x2: {  	s6 =	rddreg [dreg:$0x1]  }
0x3: {  	s0 =	rddreg [dreg:$0x2];
	s1 =	stileid.u32  }
0x4: {  	s2 =	simm.s32 $0x0;
	s5 =	srdreg.scid;
	s4 =	smul.u32 $0x28000, s1  }
0x5: {  	[smem:$0x7FF] =	sst s2;
	s5 =	sand.u32 $0x1, s5;
	s7 =	smul.u32 $0x2800, s1  }
0x6: {  	_ =	strace $0x80000047;
	s8 =	ssub.s32 $0x2, s5;
	s9 =	smul.u32 $0x1400, s5  }
0x7: {  	s5 =	smul.u32 $0x14000, s5;
	s10 =	sadd.s32 s4, s3;
	s31 =	sshrl.u32 s8, $0x1  }
0x8: {  	s3 =	sadd.s32 $0xC00, s3;
	s4 =	ssub.s32 s8, s31;
	s7 =	sadd.s32 s9, s7  }
0x9: {  	s5 =	sadd.s32 s5, s10;
	s8 =	simm.s32 $0x80;
	s9 =	simm.s32 $0x1  }
0xa: {  	s10 =	simm.s32 $0x0;
	s4 =	smax.u32 s4, $0x1;
	s7 =	sshrl.u32 s7, $0x3  }
0xb: {  	s5 =	sadd.s32 $0x27E00, s5;
	s6 =	sadd.s32 s7, s6;
	s7 =	simm.s32 $0x2  }
.LBB2_1:
0xc: {  	s11 =	sadd.s32 $0x0, s6  }
0xd: {  	[tilespmem:s2], [sflag:$0x2] =	stream.linear.gather [hbm4b:s11+s2], $0x80, $0x38;
	[tilespmem:$0x4080] =	vst v63  }
0xe: {  	_ =	swait.ge [sflag:s7], $0x80  }
0xf: {  	[sflag:s7] =	ssyncset.done $0x0  }
0x10: {  	[sflag:s7] =	ssyncadd.s32 $0xFFFFFF80  }
0x11: {  	[tilespmem:s8], [sflag:$0x1] =	stream.indirect.gather [hbm4b:s3+s8], $0x80, s2, s8, $0xb8;
	[tilespmem:$0x4080] =	vst v63  }
0x12: {  	_ =	swait.ge [sflag:s9], $0x4000  }
0x13: {  	[sflag:s9] =	ssyncset.done $0x0  }
0x14: {  	[sflag:s9] =	ssyncadd.s32 $0xFFFFC000  }
0x15: {  	[hbm4b:s5+s2] =	stream.linear.scatter [tilespmem:s8], [sflag:$0x2], $0x4000, $0x38;
	[tilespmem:$0x4080] =	vst v63  }
0x16: {  	s12 =	simm.s32 $0x10;
	_ =	swait.ge [sflag:s7], $0x4000  }
0x17: {  	s13 =	simm.s32 $0x20;
	s11 =	sadd.s32 $0x800, s5;
	[sflag:s7] =	ssyncset.done $0x0  }
.LBB2_2:
0x18: {  	s14 =	sadd.s32 s12, s6  }
0x19: {  	[sflag:s7] =	ssyncadd.s32 $0xFFFFC000;
	s12 =	smov.u32 s13;
	s15 =	sadd.s32 $0x10, s13  }
0x1a: {  	[tilespmem:s2], [sflag:$0x2] =	stream.linear.gather [hbm4b:s14+s2], $0x80, $0x38;
	[tilespmem:$0x4080] =	vst v63  }
0x1b: {  	p0 =	sne.s32 s13, $0x270;
	_ =	swait.ge [sflag:s7], $0x80  }
0x1c: {  	[sflag:s7] =	ssyncset.done $0x0  }
0x1d: {  	[sflag:s7] =	ssyncadd.s32 $0xFFFFFF80  }
0x1e: {  	[tilespmem:s8], [sflag:$0x1] =	stream.indirect.gather [hbm4b:s3+s8], $0x80, s2, s8, $0xb8;
	[tilespmem:$0x4080] =	vst v63  }
0x1f: {  	_ =	swait.ge [sflag:s9], $0x4000  }
.Ltmp0:
0x20: {  	[sflag:s9] =	ssyncset.done $0x0;
	(pc) =	sbr.rel @p0 .LBB2_2-.Ltmp0, $4  }
0x21: {  	[sflag:s9] =	ssyncadd.s32 $0xFFFFC000  }
0x22: {  	[hbm4b:s11+s2] =	stream.linear.scatter [tilespmem:s8], [sflag:$0x2], $0x4000, $0x38;
	[tilespmem:$0x4080] =	vst v63  }
0x23: {  	_ =	swait.ge [sflag:s7], $0x4000  }
0x24: {  	s13 =	smov.u32 s15;
	s11 =	sadd.s32 $0x800, s11;
	[sflag:s7] =	ssyncset.done $0x0  }
0x25: {  	s12 =	sadd.s32 s12, s6;
	[sflag:s7] =	ssyncadd.s32 $0xFFFFC000  }
0x26: {  	[tilespmem:s2], [sflag:$0x2] =	stream.linear.gather [hbm4b:s12+s2], $0x80, $0x38;
	[tilespmem:$0x4080] =	vst v63  }
0x27: {  	_ =	swait.ge [sflag:s7], $0x80  }
0x28: {  	[sflag:s7] =	ssyncset.done $0x0  }
0x29: {  	[sflag:s7] =	ssyncadd.s32 $0xFFFFFF80  }
0x2a: {  	[tilespmem:s8], [sflag:$0x1] =	stream.indirect.gather [hbm4b:s3+s8], $0x80, s2, s8, $0xb8;
	[tilespmem:$0x4080] =	vst v63  }
0x2b: {  	s10 =	sadd.s32 $0x1, s10;
	_ =	swait.ge [sflag:s9], $0x4000  }
0x2c: {  	p0 =	sne.s32 s10, s4;
	[sflag:s9] =	ssyncset.done $0x0  }
.Ltmp1:
0x2d: {  	[sflag:s9] =	ssyncadd.s32 $0xFFFFC000;
	(pc) =	sbr.rel @p0 .LBB2_1-.Ltmp1, $4  }
0x2e: {  	[hbm4b:s11+s2] =	stream.linear.scatter [tilespmem:s8], [sflag:$0x2], $0x4000, $0x38;
	[tilespmem:$0x4080] =	vst v63  }
0x2f: {  	_ =	swait.ge [sflag:s7], $0x4000  }
0x30: {  	[sflag:s7] =	ssyncset.done $0x0  }
0x31: {  	[sflag:s7] =	ssyncadd.s32 $0xFFFFC000  }
0x32: {  	_ =	sfence.sel $0x180000  }
0x33: {  	[bflag:$0x0] =	sbarrier.arrive $0xFFFF  }
0x34: {  	p0 =	sne.s32 s1, $0x0;
	_ =	strace $0x90000047  }
0x35: {  	s0 =	sadd.s32 @!p0 $0x100000, s0;
	[bflag:$0x2] =	sbarrier.arrive $0xFFFF  }
0x36: {  	[sflag:s0] =	ssyncadd.tile.s32 @!p0 $0x1;
	_ =	shalt  }
.Lfunc_end2:
_tile_overlayer_lowered:
.L_overlay_start_2:
0x37: {  	(tag) =	ssettag $0x2  }
0x38: {  	s0 =	rddreg [dreg:$0x0];
	s2 =	stileid.u32  }
0x39: {  	s1 =	rddreg [dreg:$0x1];
	p0 =	sne.s32 s2, $0x0  }
0x3a: {  	s3 =	rddreg [dreg:$0x2];
	[bflag:$0x3] =	sbarrier.arrive $0xFFFF;
	s2 =	simm.s32 @!p0 $0x1C02  }
0x3b: {  	[timem:s3], [sflag:s2] =	dma.local @!p0 [hbm:s0], s1  }
0x3c: {  	s0 =	simm.s32 @!p0 $0x2  }
0x3d: {  	_ =	swait.ge @!p0 [sflag:s0], s1  }
0x3e: {  	s1 =	ssub.s32 @!p0 $0x0, s1;
	[sflag:s0] =	ssyncset.done @!p0 $0x0  }
0x3f: {  	[sflag:s0] =	ssyncadd.s32 @!p0 s1  }
0x40: {  	[bflag:$0x3] =	sbarrier.arrive $0xFFFF  }
0x41: {  	_ =	shalt  }

</sc_bundles>
